<compile_context>
chip_gen: v7x
topology: tpu7x:2x2x1
jax: 0.10.2.dev20260603
libtpu: 0.0.44.dev20260713+nightly
codegen_flags: <defaults>
</compile_context>

<pallas_src>
import jax
import jax.numpy as jnp
from jax import lax
from jax.experimental import pallas as pl
from jax.experimental.pallas import tpu as pltpu
from jax.experimental.pallas import tpu_sc as plsc

N = 1_000_000
C = 32
CELLS = 64 * 64 * 64
R = 32768
NPASS = 4
NT = 16
P = 63488
PTS = 62512
PTS_LAST = N - 15 * PTS
CHUNK = 1024
NVEC = CHUNK // 16
ICH = 2048
B = 128
LIST = B + 16
CPT = R // NT
SUB = 128
NSUB = CPT // SUB
N_PAD = NT * P
SENT = 1 << 30


def _body(idx_hbm, feats_ref, out_ref,
          ichunk, cell_list, pid_list, cell_idx, pid_idx,
          feat_buf, ones_buf, zero_f, zero_c, norm_buf, cnt_stage, inv_buf,
          st, sums, cnts, gsem, isem):
    c = lax.axis_index("c")
    s = lax.axis_index("s")
    iv = lax.broadcasted_iota(jnp.int32, (16,), 0)
    fzero = jnp.zeros((16,), jnp.float32)
    fone = jnp.full((16,), 1.0, jnp.float32)
    tbase = s * P

    st[0] = 0
    st[1] = 0

    def init_b(j, _):
        ones_buf[j, :] = fone
        zero_f[j, pl.ds(0, 16)] = fzero
        zero_f[j, pl.ds(16, 16)] = fzero
        zero_c[j, :] = fzero
        zero_c[j + B, :] = fzero
        return 0
    lax.fori_loop(0, B, init_b, 0)

    def drain(parp):
        pltpu.make_async_copy(
            feats_ref.at[pid_idx.at[pl.ds(parp * B, B)]],
            feat_buf.at[pl.ds(parp * B, B)], gsem).wait()
        pltpu.sync_copy(feat_buf.at[pl.ds(parp * B, B)],
                        sums.at[cell_idx.at[pl.ds(parp * B, B)]], add=True)

    def flush():
        cur = st[0]

        @pl.when(st[1] == 1)
        def _():
            drain(1 - cur)
        for i in range(B // 16):
            cell_idx[pl.ds(cur * B + i * 16, 16)] = cell_list[pl.ds(i * 16, 16)]
            pid_idx[pl.ds(cur * B + i * 16, 16)] = pid_list[pl.ds(i * 16, 16)]
        pltpu.sync_copy(ones_buf, cnts.at[cell_idx.at[pl.ds(cur * B, B)]],
                        add=True)
        pltpu.async_copy(feats_ref.at[pid_idx.at[pl.ds(cur * B, B)]],
                         feat_buf.at[pl.ds(cur * B, B)], gsem)
        st[0] = 1 - cur
        st[1] = 1

    def pass_body(p, _):
        lo = (2 * p + c) * R

        def z_body(q, _):
            pltpu.sync_copy(zero_f, sums.at[pl.ds(s * CPT + q * SUB, SUB), :])
            return 0
        lax.fori_loop(0, NSUB, z_body, 0)

        def zc_body(q, _):
            pltpu.sync_copy(zero_c, cnts.at[pl.ds(s * CPT + q * 256, 256), :])
            return 0
        lax.fori_loop(0, CPT // 256, zc_body, 0)

        plsc.subcore_barrier()

        NCH = P // ICH
        pltpu.async_copy(idx_hbm.at[pl.ds(tbase, ICH)],
                         ichunk.at[pl.ds(0, ICH)], isem)

        def sc_chunk(k, w):
            kb = lax.rem(k, 2)
            pltpu.make_async_copy(idx_hbm.at[pl.ds(tbase + k * ICH, ICH)],
                                  ichunk.at[pl.ds(kb * ICH, ICH)], isem).wait()

            @pl.when(k + 1 < NCH)
            def _():
                pltpu.async_copy(
                    idx_hbm.at[pl.ds(tbase + (k + 1) * ICH, ICH)],
                    ichunk.at[pl.ds((1 - kb) * ICH, ICH)], isem)

            def scan_body(j, w):
                v = ichunk[pl.ds(kb * ICH + j * 16, 16)]
                rel = v - lo
                m = (v >> 15) == (2 * p + c)
                n = jnp.max(plsc.all_reduce_population_count(m))
                plsc.store_compressed(cell_list.at[pl.ds(w, 16)], rel, mask=m)
                pidv = tbase + k * ICH + j * 16 + iv
                plsc.store_compressed(pid_list.at[pl.ds(w, 16)], pidv, mask=m)
                w2 = w + n

                @pl.when(w2 >= B)
                def _():
                    flush()
                    cell_list[pl.ds(0, 16)] = cell_list[pl.ds(B, 16)]
                    pid_list[pl.ds(0, 16)] = pid_list[pl.ds(B, 16)]

                return jnp.where(w2 >= B, w2 - B, w2)
            return lax.fori_loop(0, ICH // 16, scan_body, w)
        w = lax.fori_loop(0, NCH, sc_chunk, jnp.int32(0))

        for i in range(B // 16):
            posv = i * 16 + iv
            cv = cell_list[pl.ds(i * 16, 16)]
            cell_list[pl.ds(i * 16, 16)] = jnp.where(posv < w, cv, jnp.int32(R))
            pv = pid_list[pl.ds(i * 16, 16)]
            pid_list[pl.ds(i * 16, 16)] = jnp.where(posv < w, pv, 0)
        flush()

        @pl.when(st[1] == 1)
        def _():
            drain(1 - st[0])
        st[1] = 0

        plsc.subcore_barrier()

        def nsub_body(q, _):
            row0 = s * CPT + q * SUB
            pltpu.sync_copy(sums.at[pl.ds(row0, SUB), :], norm_buf)
            pltpu.sync_copy(cnts.at[pl.ds(row0, SUB), :], cnt_stage)

            def inv_body(g, _):
                cv = plsc.load_gather(cnt_stage, [g * 16 + iv, iv * 0])
                inv_buf[pl.ds(g * 16, 16)] = 1.0 / jnp.maximum(cv, 1.0)
                return 0
            lax.fori_loop(0, SUB // 16, inv_body, 0)

            def mul_body(qq, _):
                sc_ = plsc.load_gather(inv_buf, [iv * 0 + qq])
                norm_buf[qq, pl.ds(0, 16)] = norm_buf[qq, pl.ds(0, 16)] * sc_
                norm_buf[qq, pl.ds(16, 16)] = norm_buf[qq, pl.ds(16, 16)] * sc_
                return 0
            lax.fori_loop(0, SUB, mul_body, 0)

            pltpu.sync_copy(norm_buf, out_ref.at[pl.ds(lo + row0, SUB), :])
            return 0
        lax.fori_loop(0, NSUB, nsub_body, 0)

        plsc.subcore_barrier()
        return 0
    lax.fori_loop(0, NPASS, pass_body, 0)


@jax.jit
def _togrid(flat_idx, features):
    mesh = plsc.VectorSubcoreMesh(core_axis_name="c", subcore_axis_name="s")
    grid = pl.kernel(
        _body,
        out_type=jax.ShapeDtypeStruct((CELLS, C), jnp.float32),
        mesh=mesh,
        compiler_params=pltpu.CompilerParams(
            needs_layout_passes=False, use_tc_tiling_on_sc=False),
        scratch_types=[
            pltpu.VMEM((2 * ICH,), jnp.int32),
            pltpu.VMEM((LIST,), jnp.int32),
            pltpu.VMEM((LIST,), jnp.int32),
            pltpu.VMEM((2 * B,), jnp.int32),
            pltpu.VMEM((2 * B,), jnp.int32),
            pltpu.VMEM((2 * B, C), jnp.float32),
            pltpu.VMEM((B, 16), jnp.float32),
            pltpu.VMEM((SUB, C), jnp.float32),
            pltpu.VMEM((256, 16), jnp.float32),
            pltpu.VMEM((SUB, C), jnp.float32),
            pltpu.VMEM((SUB, 16), jnp.float32),
            pltpu.VMEM((SUB,), jnp.float32),
            pltpu.SMEM((4,), jnp.int32),
            pltpu.VMEM_SHARED((R + 16, C), jnp.float32),
            pltpu.VMEM_SHARED((R + 16, 16), jnp.float32),
            pltpu.SemaphoreType.DMA,
            pltpu.SemaphoreType.DMA,
        ],
    )(flat_idx, features)
    return grid


def kernel(vertices, features):
    vox = jnp.clip((vertices * 64.0).astype(jnp.int32), 0, 63)
    flat = vox[:, 0] * 4096 + vox[:, 1] * 64 + vox[:, 2]
    flat = jnp.pad(flat, (0, N_PAD - N), constant_values=SENT)
    return _togrid(flat, features).reshape(64, 64, 64, C)

# --- scband reference (transcript-rebuilt; emitter-appended) ---
"""Pipeline reference for scband-to-grid-86268713107706 (READ-ONLY COPY).

The authoritative reference and input builder live on the scoring server;
editing this copy changes nothing except your own understanding.
"""

import jax, jax.numpy as jnp
import numpy as np

RES = (64, 64, 64)
BB_MIN = jnp.array([0.0, 0.0, 0.0], dtype=jnp.float32)
BB_MAX = jnp.array([1.0, 1.0, 1.0], dtype=jnp.float32)


def setup_inputs(seed: int = 0) -> dict:
    key = jax.random.key(seed)
    k1, k2 = jax.random.split(key)
    vertices = jax.random.uniform(k1, (1000000, 3), dtype=jnp.float32)
    features = jax.random.normal(k2, (1000000, 32), dtype=jnp.float32)
    return {"vertices": vertices, "features": features}


def reference(vertices, features):
    # ToGrid: scatter point features into a regular voxel grid (scatter-mean),
    # producing GridFeatures in x_y_z_c memory format.
    res = jnp.array(RES, dtype=jnp.float32)
    res_i = jnp.array(RES, dtype=jnp.int32)
    # normalize vertices into [0, 1) w.r.t. bounding box
    norm = (vertices - BB_MIN) / (BB_MAX - BB_MIN)
    # voxel coordinates, clipped to valid range
    vox = jnp.floor(norm * res).astype(jnp.int32)
    vox = jnp.clip(vox, 0, res_i - 1)
    # flatten 3D voxel coords to linear cell index
    flat_idx = vox[:, 0] * (RES[1] * RES[2]) + vox[:, 1] * RES[2] + vox[:, 2]
    num_cells = RES[0] * RES[1] * RES[2]
    # scatter-add features and point counts per cell
    summed = jax.ops.segment_sum(features, flat_idx, num_segments=num_cells)
    counts = jax.ops.segment_sum(
        jnp.ones((features.shape[0], 1), dtype=features.dtype),
        flat_idx,
        num_segments=num_cells,
    )
    # scatter-mean: average features per occupied voxel
    grid = summed / jnp.maximum(counts, 1.0)
    # x_y_z_c layout: [H, W, D, C]
    return grid.reshape(RES[0], RES[1], RES[2], features.shape[-1])

if __name__ == "__main__":
    import jax
    _d = setup_inputs()
    print(jax.jit(kernel)(*tuple(_d.values())))

</pallas_src>

<mosaic_0001>
#map = affine_map<(d0, d1) -> (0)>
#map1 = affine_map<(d0, d1) -> (0, 0)>
module attributes {stable_mosaic.version = 14 : i64} {
  func.func @_body(%arg0: i32, %arg1: i32, %arg2: memref<1015808xi32, #tpu.memory_space<hbm>>, %arg3: memref<1000000x32xf32, #tpu.memory_space<hbm>>, %arg4: memref<262144x32xf32, #tpu.memory_space<hbm>>, %arg5: memref<4096xi32, #tpu.memory_space<vmem>>, %arg6: memref<144xi32, #tpu.memory_space<vmem>>, %arg7: memref<144xi32, #tpu.memory_space<vmem>>, %arg8: memref<256xi32, #tpu.memory_space<vmem>>, %arg9: memref<256xi32, #tpu.memory_space<vmem>>, %arg10: memref<256x32xf32, #tpu.memory_space<vmem>>, %arg11: memref<128x16xf32, #tpu.memory_space<vmem>>, %arg12: memref<128x32xf32, #tpu.memory_space<vmem>>, %arg13: memref<256x16xf32, #tpu.memory_space<vmem>>, %arg14: memref<128x32xf32, #tpu.memory_space<vmem>>, %arg15: memref<128x16xf32, #tpu.memory_space<vmem>>, %arg16: memref<128xf32, #tpu.memory_space<vmem>>, %arg17: memref<4xi32, #tpu.memory_space<smem>>, %arg18: memref<32784x32xf32, #tpu.memory_space<vmem_shared>>, %arg19: memref<32784x16xf32, #tpu.memory_space<vmem_shared>>, %arg20: memref<!tpu.dma_semaphore, #tpu.memory_space<semaphore_mem>>, %arg21: memref<!tpu.dma_semaphore, #tpu.memory_space<semaphore_mem>>) attributes {dimension_semantics = [#tpu.dimension_semantics<core_parallel>, #tpu.dimension_semantics<subcore_parallel>], iteration_bounds = array<i64: 2, 16>, scalar_prefetch = 0 : i64, scratch_operands = 17 : i64, tpu.core_type = #tpu.core_type<sc_vector_subcore>, window_params = [{transform_indices = #map}, {transform_indices = #map1}, {transform_indices = #map1}]} {
    %iota3A = tpu.iota {dimensions = array<i32: 0>} : vector<16xi32>
    %broadcast_in_dim3A = arith.constant 0.000000e+00 : f32
    %broadcast_in_dim3A_0 = vector.broadcast %broadcast_in_dim3A : f32 to vector<16xf32>
    %broadcast_in_dim3A_1 = arith.constant 1.000000e+00 : f32
    %broadcast_in_dim3A_2 = vector.broadcast %broadcast_in_dim3A_1 : f32 to vector<16xf32>
    %mul3A = arith.constant 63488 : i32
    %mul3A_3 = arith.muli %arg1, %mul3A : i32
    %swap3A = arith.constant 0 : i32
    %swap3A_4 = arith.constant 0 : i32
    %swap3A_5 = arith.index_cast %swap3A_4 : i32 to index
    %swap3A_6 = memref.load %arg17[%swap3A_5] : memref<4xi32, #tpu.memory_space<smem>>
    memref.store %swap3A, %arg17[%swap3A_5] : memref<4xi32, #tpu.memory_space<smem>>
    %swap3A_7 = arith.constant 0 : i32
    %swap3A_8 = arith.constant 1 : i32
    %swap3A_9 = arith.index_cast %swap3A_8 : i32 to index
    %swap3A_10 = memref.load %arg17[%swap3A_9] : memref<4xi32, #tpu.memory_space<smem>>
    memref.store %swap3A_7, %arg17[%swap3A_9] : memref<4xi32, #tpu.memory_space<smem>>
    %scan3A = arith.constant 0 : i32
    %scan3A_11 = arith.constant 0 : i32
    %scan3A_12 = arith.constant 128 : i32
    %scan3A_13 = arith.addi %scan3A_11, %scan3A_12 : i32
    %scan3A_14 = arith.constant 1 : i32
    %scan3A_15 = scf.for %scan3A_24 = %scan3A_11 to %scan3A_13 step %scan3A_14 iter_args(%scan3A_25 = %scan3A) -> (i32)  : i32 {
      %swap3A_26 = arith.index_cast %scan3A_24 : i32 to index
      %swap3A_27 = arith.constant 0 : index
      %swap3A_28 = tpu.vector_load %arg11[%swap3A_26, %swap3A_27] {strides = array<i32>} : memref<128x16xf32, #tpu.memory_space<vmem>>, vector<16xf32>,
      tpu.vector_store %arg11[%swap3A_26, %swap3A_27], %broadcast_in_dim3A_2 {strides = array<i32>} : memref<128x16xf32, #tpu.memory_space<vmem>>, vector<16xf32>,
      %swap3A_29 = arith.index_cast %scan3A_24 : i32 to index
      %swap3A_30 = arith.constant 0 : index
      %swap3A_31 = tpu.vector_load %arg12[%swap3A_29, %swap3A_30] {strides = array<i32>} : memref<128x32xf32, #tpu.memory_space<vmem>>, vector<16xf32>,
      tpu.vector_store %arg12[%swap3A_29, %swap3A_30], %broadcast_in_dim3A_0 {strides = array<i32>} : memref<128x32xf32, #tpu.memory_space<vmem>>, vector<16xf32>,
      %swap3A_32 = arith.index_cast %scan3A_24 : i32 to index
      %swap3A_33 = arith.constant 16 : index
      %swap3A_34 = tpu.vector_load %arg12[%swap3A_32, %swap3A_33] {strides = array<i32>} : memref<128x32xf32, #tpu.memory_space<vmem>>, vector<16xf32>,
      tpu.vector_store %arg12[%swap3A_32, %swap3A_33], %broadcast_in_dim3A_0 {strides = array<i32>} : memref<128x32xf32, #tpu.memory_space<vmem>>, vector<16xf32>,
      %swap3A_35 = arith.index_cast %scan3A_24 : i32 to index
      %swap3A_36 = arith.constant 0 : index
      %swap3A_37 = tpu.vector_load %arg13[%swap3A_35, %swap3A_36] {strides = array<i32>} : memref<256x16xf32, #tpu.memory_space<vmem>>, vector<16xf32>,
      tpu.vector_store %arg13[%swap3A_35, %swap3A_36], %broadcast_in_dim3A_0 {strides = array<i32>} : memref<256x16xf32, #tpu.memory_space<vmem>>, vector<16xf32>,
      %add3A = arith.constant 128 : i32
      %add3A_38 = arith.addi %scan3A_24, %add3A : i32
      %swap3A_39 = arith.index_cast %add3A_38 : i32 to index
      %swap3A_40 = arith.constant 0 : index
      %swap3A_41 = tpu.vector_load %arg13[%swap3A_39, %swap3A_40] {strides = array<i32>} : memref<256x16xf32, #tpu.memory_space<vmem>>, vector<16xf32>,
      tpu.vector_store %arg13[%swap3A_39, %swap3A_40], %broadcast_in_dim3A_0 {strides = array<i32>} : memref<256x16xf32, #tpu.memory_space<vmem>>, vector<16xf32>,
      %scan3A_42 = arith.constant 0 : i32
      scf.yield %scan3A_42 : i32
    }
    %scan3A_16 = arith.constant 128 : i32
    %scan3A_17 = arith.constant 0 : i32
    %scan3A_18 = arith.constant 0 : i32
    %scan3A_19 = arith.constant 4 : i32
    %scan3A_20 = arith.addi %scan3A_18, %scan3A_19 : i32
    %scan3A_21 = arith.constant 1 : i32
    %scan3A_22 = scf.for %scan3A_24 = %scan3A_18 to %scan3A_20 step %scan3A_21 iter_args(%scan3A_25 = %scan3A_17) -> (i32)  : i32 {
      %mul3A_26 = arith.constant 2 : i32
      %mul3A_27 = arith.muli %mul3A_26, %scan3A_24 : i32
      %add3A = arith.addi %mul3A_27, %arg0 : i32
      %mul3A_28 = arith.constant 32768 : i32
      %mul3A_29 = arith.muli %add3A, %mul3A_28 : i32
      %scan3A_30 = arith.constant 0 : i32
      %scan3A_31 = arith.constant 0 : i32
      %scan3A_32 = arith.constant 16 : i32
      %scan3A_33 = arith.addi %scan3A_31, %scan3A_32 : i32
      %scan3A_34 = arith.constant 1 : i32
      %scan3A_35 = scf.for %scan3A_398 = %scan3A_31 to %scan3A_33 step %scan3A_34 iter_args(%scan3A_399 = %scan3A_30) -> (i32)  : i32 {
        %mul3A_400 = arith.constant 2048 : i32
        %mul3A_401 = arith.muli %arg1, %mul3A_400 : i32
        %mul3A_402 = arith.constant 128 : i32
        %mul3A_403 = arith.muli %scan3A_398, %mul3A_402 : i32
        %add3A_404 = arith.addi %mul3A_401, %mul3A_403 : i32
        "tpu.region"() ({
          %run_scoped3A = tpu.sem_alloc : memref<!tpu.dma_semaphore, #tpu.memory_space<semaphore_mem>>
          %dma_start3A_406 = arith.constant 0 : i32
          %dma_start3A_407 = tpu.memref_slice %arg18[%add3A_404, %dma_start3A_406] : memref<32784x32xf32, #tpu.memory_space<vmem_shared>> -> memref<128x32xf32, #tpu.memory_space<vmem_shared>>
          %dma_start3A_408 = arith.constant 0 : i32
          %dma_start3A_409 = tpu.memref_slice %arg18[%add3A_404, %dma_start3A_408] : memref<32784x32xf32, #tpu.memory_space<vmem_shared>> -> memref<128x32xf32, #tpu.memory_space<vmem_shared>>
          tpu.enqueue_dma source(%arg12 : memref<128x32xf32, #tpu.memory_space<vmem>>) target(%dma_start3A_409 : memref<128x32xf32, #tpu.memory_space<vmem_shared>>) target_semaphore(%run_scoped3A : memref<!tpu.dma_semaphore, #tpu.memory_space<semaphore_mem>>)
          %dma_wait3A = arith.constant 0 : i32
          %dma_wait3A_410 = tpu.memref_slice %arg18[%add3A_404, %dma_wait3A] : memref<32784x32xf32, #tpu.memory_space<vmem_shared>> -> memref<128x32xf32, #tpu.memory_space<vmem_shared>>
          %dma_wait3A_411 = arith.constant 0 : i32
          %dma_wait3A_412 = tpu.memref_slice %arg18[%add3A_404, %dma_wait3A_411] : memref<32784x32xf32, #tpu.memory_space<vmem_shared>> -> memref<128x32xf32, #tpu.memory_space<vmem_shared>>
          tpu.wait_dma2 semaphore(%run_scoped3A : memref<!tpu.dma_semaphore, #tpu.memory_space<semaphore_mem>>) src(%arg12 : memref<128x32xf32, #tpu.memory_space<vmem>>) dst(%dma_wait3A_412 : memref<128x32xf32, #tpu.memory_space<vmem_shared>>)
          tpu.yield
        }) : () -> ()
        %scan3A_405 = arith.constant 0 : i32
        scf.yield %scan3A_405 : i32
      }
      %scan3A_36 = arith.constant 16 : i32
      %scan3A_37 = arith.constant 0 : i32
      %scan3A_38 = arith.constant 0 : i32
      %scan3A_39 = arith.constant 8 : i32
      %scan3A_40 = arith.addi %scan3A_38, %scan3A_39 : i32
      %scan3A_41 = arith.constant 1 : i32
      %scan3A_42 = scf.for %scan3A_398 = %scan3A_38 to %scan3A_40 step %scan3A_41 iter_args(%scan3A_399 = %scan3A_37) -> (i32)  : i32 {
        %mul3A_400 = arith.constant 2048 : i32
        %mul3A_401 = arith.muli %arg1, %mul3A_400 : i32
        %mul3A_402 = arith.constant 256 : i32
        %mul3A_403 = arith.muli %scan3A_398, %mul3A_402 : i32
        %add3A_404 = arith.addi %mul3A_401, %mul3A_403 : i32
        "tpu.region"() ({
          %run_scoped3A = tpu.sem_alloc : memref<!tpu.dma_semaphore, #tpu.memory_space<semaphore_mem>>
          %dma_start3A_406 = arith.constant 0 : i32
          %dma_start3A_407 = tpu.memref_slice %arg19[%add3A_404, %dma_start3A_406] : memref<32784x16xf32, #tpu.memory_space<vmem_shared>> -> memref<256x16xf32, #tpu.memory_space<vmem_shared>>
          %dma_start3A_408 = arith.constant 0 : i32
          %dma_start3A_409 = tpu.memref_slice %arg19[%add3A_404, %dma_start3A_408] : memref<32784x16xf32, #tpu.memory_space<vmem_shared>> -> memref<256x16xf32, #tpu.memory_space<vmem_shared>>
          tpu.enqueue_dma source(%arg13 : memref<256x16xf32, #tpu.memory_space<vmem>>) target(%dma_start3A_409 : memref<256x16xf32, #tpu.memory_space<vmem_shared>>) target_semaphore(%run_scoped3A : memref<!tpu.dma_semaphore, #tpu.memory_space<semaphore_mem>>)
          %dma_wait3A = arith.constant 0 : i32
          %dma_wait3A_410 = tpu.memref_slice %arg19[%add3A_404, %dma_wait3A] : memref<32784x16xf32, #tpu.memory_space<vmem_shared>> -> memref<256x16xf32, #tpu.memory_space<vmem_shared>>
          %dma_wait3A_411 = arith.constant 0 : i32
          %dma_wait3A_412 = tpu.memref_slice %arg19[%add3A_404, %dma_wait3A_411] : memref<32784x16xf32, #tpu.memory_space<vmem_shared>> -> memref<256x16xf32, #tpu.memory_space<vmem_shared>>
          tpu.wait_dma2 semaphore(%run_scoped3A : memref<!tpu.dma_semaphore, #tpu.memory_space<semaphore_mem>>) src(%arg13 : memref<256x16xf32, #tpu.memory_space<vmem>>) dst(%dma_wait3A_412 : memref<256x16xf32, #tpu.memory_space<vmem_shared>>)
          tpu.yield
        }) : () -> ()
        %scan3A_405 = arith.constant 0 : i32
        scf.yield %scan3A_405 : i32
      }
      %scan3A_43 = arith.constant 8 : i32
      %barrier3A = arith.constant 0 : index
      tpu.barrier barrier_id(%barrier3A)
      %dma_start3A = arith.constant 0 : i32
      %dma_start3A_44 = tpu.memref_slice %arg5[%dma_start3A] : memref<4096xi32, #tpu.memory_space<vmem>> -> memref<2048xi32, #tpu.memory_space<vmem>>
      %dma_start3A_45 = tpu.memref_slice %arg2[%mul3A_3] : memref<1015808xi32, #tpu.memory_space<hbm>> -> memref<2048xi32, #tpu.memory_space<hbm>>
      %dma_start3A_46 = arith.constant 0 : i32
      %dma_start3A_47 = tpu.memref_slice %arg5[%dma_start3A_46] : memref<4096xi32, #tpu.memory_space<vmem>> -> memref<2048xi32, #tpu.memory_space<vmem>>
      %dma_start3A_48 = tpu.memref_slice %arg2[%mul3A_3] : memref<1015808xi32, #tpu.memory_space<hbm>> -> memref<2048xi32, #tpu.memory_space<hbm>>
      tpu.enqueue_dma source(%dma_start3A_48 : memref<2048xi32, #tpu.memory_space<hbm>>) target(%dma_start3A_47 : memref<2048xi32, #tpu.memory_space<vmem>>) target_semaphore(%arg21 : memref<!tpu.dma_semaphore, #tpu.memory_space<semaphore_mem>>)
      %scan3A_49 = arith.constant 0 : i32
      %scan3A_50 = arith.constant 0 : i32
      %scan3A_51 = arith.constant 31 : i32
      %scan3A_52 = arith.addi %scan3A_50, %scan3A_51 : i32
      %scan3A_53 = arith.constant 1 : i32
      %scan3A_54 = scf.for %scan3A_398 = %scan3A_50 to %scan3A_52 step %scan3A_53 iter_args(%scan3A_399 = %scan3A_49) -> (i32)  : i32 {
        %rem3A = arith.constant 2 : i32
        %rem3A_400 = arith.remsi %scan3A_398, %rem3A : i32
        %mul3A_401 = arith.constant 2048 : i32
        %mul3A_402 = arith.muli %scan3A_398, %mul3A_401 : i32
        %add3A_403 = arith.addi %mul3A_3, %mul3A_402 : i32
        %mul3A_404 = arith.constant 2048 : i32
        %mul3A_405 = arith.muli %rem3A_400, %mul3A_404 : i32
        %dma_wait3A = tpu.memref_slice %arg5[%mul3A_405] : memref<4096xi32, #tpu.memory_space<vmem>> -> memref<2048xi32, #tpu.memory_space<vmem>>
        %dma_wait3A_406 = tpu.memref_slice %arg2[%add3A_403] : memref<1015808xi32, #tpu.memory_space<hbm>> -> memref<2048xi32, #tpu.memory_space<hbm>>
        %dma_wait3A_407 = tpu.memref_slice %arg5[%mul3A_405] : memref<4096xi32, #tpu.memory_space<vmem>> -> memref<2048xi32, #tpu.memory_space<vmem>>
        %dma_wait3A_408 = tpu.memref_slice %arg2[%add3A_403] : memref<1015808xi32, #tpu.memory_space<hbm>> -> memref<2048xi32, #tpu.memory_space<hbm>>
        tpu.wait_dma2 semaphore(%arg21 : memref<!tpu.dma_semaphore, #tpu.memory_space<semaphore_mem>>) src(%dma_wait3A_408 : memref<2048xi32, #tpu.memory_space<hbm>>) dst(%dma_wait3A_407 : memref<2048xi32, #tpu.memory_space<vmem>>)
        %add3A_409 = arith.constant 1 : i32
        %add3A_410 = arith.addi %scan3A_398, %add3A_409 : i32
        %lt3A_411 = arith.constant 31 : i32
        %lt3A_412 = arith.cmpi slt, %add3A_410, %lt3A_411 : i32
        %convert_element_type3A_413 = arith.extui %lt3A_412 : i1 to i32
        %cond3A_414 = arith.constant 0 : i32
        %cond3A_415 = arith.cmpi ne, %convert_element_type3A_413, %cond3A_414 : i32
        scf.if %cond3A_415 {
          %add3A_422 = arith.constant 1 : i32
          %add3A_423 = arith.addi %scan3A_398, %add3A_422 : i32
          %mul3A_424 = arith.constant 2048 : i32
          %mul3A_425 = arith.muli %add3A_423, %mul3A_424 : i32
          %add3A_426 = arith.addi %mul3A_3, %mul3A_425 : i32
          %sub3A_427 = arith.constant 1 : i32
          %sub3A_428 = arith.subi %sub3A_427, %rem3A_400 : i32
          %mul3A_429 = arith.constant 2048 : i32
          %mul3A_430 = arith.muli %sub3A_428, %mul3A_429 : i32
          %dma_start3A_431 = tpu.memref_slice %arg5[%mul3A_430] : memref<4096xi32, #tpu.memory_space<vmem>> -> memref<2048xi32, #tpu.memory_space<vmem>>
          %dma_start3A_432 = tpu.memref_slice %arg2[%add3A_426] : memref<1015808xi32, #tpu.memory_space<hbm>> -> memref<2048xi32, #tpu.memory_space<hbm>>
          %dma_start3A_433 = tpu.memref_slice %arg5[%mul3A_430] : memref<4096xi32, #tpu.memory_space<vmem>> -> memref<2048xi32, #tpu.memory_space<vmem>>
          %dma_start3A_434 = tpu.memref_slice %arg2[%add3A_426] : memref<1015808xi32, #tpu.memory_space<hbm>> -> memref<2048xi32, #tpu.memory_space<hbm>>
          tpu.enqueue_dma source(%dma_start3A_434 : memref<2048xi32, #tpu.memory_space<hbm>>) target(%dma_start3A_433 : memref<2048xi32, #tpu.memory_space<vmem>>) target_semaphore(%arg21 : memref<!tpu.dma_semaphore, #tpu.memory_space<semaphore_mem>>)
        } else {
        }
        %scan3A_416 = arith.constant 0 : i32
        %scan3A_417 = arith.constant 128 : i32
        %scan3A_418 = arith.addi %scan3A_416, %scan3A_417 : i32
        %scan3A_419 = arith.constant 1 : i32
        %scan3A_420 = scf.for %scan3A_422 = %scan3A_416 to %scan3A_418 step %scan3A_419 iter_args(%scan3A_423 = %scan3A_399) -> (i32)  : i32 {
          %mul3A_424 = arith.constant 2048 : i32
          %mul3A_425 = arith.muli %rem3A_400, %mul3A_424 : i32
          %mul3A_426 = arith.constant 16 : i32
          %mul3A_427 = arith.muli %scan3A_422, %mul3A_426 : i32
          %add3A_428 = arith.addi %mul3A_425, %mul3A_427 : i32
          %get3A_429 = arith.index_cast %add3A_428 : i32 to index
          %get3A_430 = tpu.vector_load %arg5[%get3A_429] {strides = array<i32>} : memref<4096xi32, #tpu.memory_space<vmem>>, vector<16xi32>,
          %sub3A_431 = vector.broadcast %mul3A_29 : i32 to vector<16xi32>
          %sub3A_432 = arith.subi %get3A_430, %sub3A_431 : vector<16xi32>
          %shift_right_arithmetic3A = arith.constant 15 : i32
          %shift_right_arithmetic3A_433 = vector.broadcast %shift_right_arithmetic3A : i32 to vector<16xi32>
          %shift_right_arithmetic3A_434 = arith.shrsi %get3A_430, %shift_right_arithmetic3A_433 : vector<16xi32>
          %mul3A_435 = arith.constant 2 : i32
          %mul3A_436 = arith.muli %mul3A_435, %scan3A_24 : i32
          %add3A_437 = arith.addi %mul3A_436, %arg0 : i32
          %eq3A_438 = vector.broadcast %add3A_437 : i32 to vector<16xi32>
          %eq3A_439 = arith.cmpi eq, %shift_right_arithmetic3A_434, %eq3A_438 : vector<16xi32>
          %all_reduce_population_count3A = tpu.all_reduce %eq3A_439 {dim = 0 : i64, kind = #tpu.reduction_kind<sum>} : vector<16xi1> -> vector<16xi32>
          %reduce_max3A = arith.constant true
          %reduce_max3A_440 = vector.broadcast %reduce_max3A : i1 to vector<16xi1>
          %reduce_max3A_441 = arith.constant -2147483648 : i32
          %reduce_max3A_442 = vector.broadcast %reduce_max3A_441 : i32 to vector<16xi32>
          %reduce_max3A_443 = arith.xori %all_reduce_population_count3A, %reduce_max3A_442 : vector<16xi32>
          %reduce_max3A_444 = tpu.scan <max>, %reduce_max3A_443 masked %reduce_max3A_440 : vector<16xi32>, vector<16xi1> -> vector<16xi32>
          %reduce_max3A_445 = arith.xori %reduce_max3A_444, %reduce_max3A_442 : vector<16xi32>
          %reduce_max3A_446 = vector.extract %reduce_max3A_445[15] : i32 from vector<16xi32>
          %swap3A_447 = arith.index_cast %scan3A_423 : i32 to index
          %swap3A_448 = tpu.vector_load %arg6[%swap3A_447] masked %eq3A_439 {strides = array<i32>} : memref<144xi32, #tpu.memory_space<vmem>>, vector<16xi32>, vector<16xi1>
          tpu.vector_store %arg6[%swap3A_447], %sub3A_432 masked %eq3A_439 {strides = array<i32>} : memref<144xi32, #tpu.memory_space<vmem>>, vector<16xi32>, vector<16xi1>
          %mul3A_449 = arith.constant 2048 : i32
          %mul3A_450 = arith.muli %scan3A_398, %mul3A_449 : i32
          %add3A_451 = arith.addi %mul3A_3, %mul3A_450 : i32
          %mul3A_452 = arith.constant 16 : i32
          %mul3A_453 = arith.muli %scan3A_422, %mul3A_452 : i32
          %add3A_454 = arith.addi %add3A_451, %mul3A_453 : i32
          %add3A_455 = vector.broadcast %add3A_454 : i32 to vector<16xi32>
          %add3A_456 = arith.addi %add3A_455, %iota3A : vector<16xi32>
          %swap3A_457 = arith.index_cast %scan3A_423 : i32 to index
          %swap3A_458 = tpu.vector_load %arg7[%swap3A_457] masked %eq3A_439 {strides = array<i32>} : memref<144xi32, #tpu.memory_space<vmem>>, vector<16xi32>, vector<16xi1>
          tpu.vector_store %arg7[%swap3A_457], %add3A_456 masked %eq3A_439 {strides = array<i32>} : memref<144xi32, #tpu.memory_space<vmem>>, vector<16xi32>, vector<16xi1>
          %add3A_459 = arith.addi %scan3A_423, %reduce_max3A_446 : i32
          %ge3A = arith.constant 128 : i32
          %ge3A_460 = arith.cmpi sge, %add3A_459, %ge3A : i32
          %convert_element_type3A_461 = arith.extui %ge3A_460 : i1 to i32
          %cond3A_462 = arith.constant 0 : i32
          %cond3A_463 = arith.cmpi ne, %convert_element_type3A_461, %cond3A_462 : i32
          scf.if %cond3A_463 {
            %get3A_469 = arith.constant 0 : i32
            %get3A_470 = arith.index_cast %get3A_469 : i32 to index
            %get3A_471 = memref.load %arg17[%get3A_470] : memref<4xi32, #tpu.memory_space<smem>>
            %get3A_472 = arith.constant 1 : i32
            %get3A_473 = arith.index_cast %get3A_472 : i32 to index
            %get3A_474 = memref.load %arg17[%get3A_473] : memref<4xi32, #tpu.memory_space<smem>>
            %eq3A_475 = arith.constant 1 : i32
            %eq3A_476 = arith.cmpi eq, %get3A_474, %eq3A_475 : i32
            %convert_element_type3A_477 = arith.extui %eq3A_476 : i1 to i32
            %cond3A_478 = arith.constant 0 : i32
            %cond3A_479 = arith.cmpi ne, %convert_element_type3A_477, %cond3A_478 : i32
            scf.if %cond3A_479 {
              %sub3A_637 = arith.constant 1 : i32
              %sub3A_638 = arith.subi %sub3A_637, %get3A_471 : i32
              %mul3A_639 = arith.constant 128 : i32
              %mul3A_640 = arith.muli %sub3A_638, %mul3A_639 : i32
              %mul3A_641 = arith.constant 128 : i32
              %mul3A_642 = arith.muli %sub3A_638, %mul3A_641 : i32
              %dma_wait3A_643 = arith.constant 0 : i32
              %dma_wait3A_644 = tpu.memref_slice %arg10[%mul3A_642, %dma_wait3A_643] : memref<256x32xf32, #tpu.memory_space<vmem>> -> memref<128x32xf32, #tpu.memory_space<vmem>>
              %dma_wait3A_645 = tpu.memref_slice %arg9[%mul3A_640] : memref<256xi32, #tpu.memory_space<vmem>> -> memref<128xi32, #tpu.memory_space<vmem>>
              %dma_wait3A_646 = arith.constant 0 : i32
              %dma_wait3A_647 = arith.constant 0 : i32
              %dma_wait3A_648 = tpu.memref_slice %arg3[%dma_wait3A_646, %dma_wait3A_647] : memref<1000000x32xf32, #tpu.memory_space<hbm>> -> memref<1000000x32xf32, #tpu.memory_space<hbm>>
              tpu.wait_indirect_dma semaphore(%arg20 : memref<!tpu.dma_semaphore, #tpu.memory_space<semaphore_mem>>) src(%dma_wait3A_648 : memref<1000000x32xf32, #tpu.memory_space<hbm>>) dst(%dma_wait3A_644 : memref<128x32xf32, #tpu.memory_space<vmem>>)
              %mul3A_649 = arith.constant 128 : i32
              %mul3A_650 = arith.muli %sub3A_638, %mul3A_649 : i32
              %mul3A_651 = arith.constant 128 : i32
              %mul3A_652 = arith.muli %sub3A_638, %mul3A_651 : i32
              "tpu.region"() ({
                %run_scoped3A = tpu.sem_alloc : memref<!tpu.dma_semaphore, #tpu.memory_space<semaphore_mem>>
                %dma_start3A_653 = arith.constant 0 : i32
                %dma_start3A_654 = tpu.memref_slice %arg10[%mul3A_650, %dma_start3A_653] : memref<256x32xf32, #tpu.memory_space<vmem>> -> memref<128x32xf32, #tpu.memory_space<vmem>>
                %dma_start3A_655 = tpu.memref_slice %arg8[%mul3A_652] : memref<256xi32, #tpu.memory_space<vmem>> -> memref<128xi32, #tpu.memory_space<vmem>>
                %dma_start3A_656 = arith.constant 0 : i32
                %dma_start3A_657 = arith.constant 0 : i32
                %dma_start3A_658 = tpu.memref_slice %arg18[%dma_start3A_656, %dma_start3A_657] : memref<32784x32xf32, #tpu.memory_space<vmem_shared>> -> memref<32784x32xf32, #tpu.memory_space<vmem_shared>>
                tpu.enqueue_indirect_dma source(%dma_start3A_654 : memref<128x32xf32, #tpu.memory_space<vmem>>) target(%dma_start3A_658 : memref<32784x32xf32, #tpu.memory_space<vmem_shared>>) offsets(%dma_start3A_655 : memref<128xi32, #tpu.memory_space<vmem>>) semaphore(%run_scoped3A : memref<!tpu.dma_semaphore, #tpu.memory_space<semaphore_mem>>) {add = true}
                %dma_wait3A_659 = arith.constant 0 : i32
                %dma_wait3A_660 = tpu.memref_slice %arg10[%mul3A_650, %dma_wait3A_659] : memref<256x32xf32, #tpu.memory_space<vmem>> -> memref<128x32xf32, #tpu.memory_space<vmem>>
                %dma_wait3A_661 = tpu.memref_slice %arg8[%mul3A_652] : memref<256xi32, #tpu.memory_space<vmem>> -> memref<128xi32, #tpu.memory_space<vmem>>
                %dma_wait3A_662 = arith.constant 0 : i32
                %dma_wait3A_663 = arith.constant 0 : i32
                %dma_wait3A_664 = tpu.memref_slice %arg18[%dma_wait3A_662, %dma_wait3A_663] : memref<32784x32xf32, #tpu.memory_space<vmem_shared>> -> memref<32784x32xf32, #tpu.memory_space<vmem_shared>>
                tpu.wait_indirect_dma semaphore(%run_scoped3A : memref<!tpu.dma_semaphore, #tpu.memory_space<semaphore_mem>>) src(%dma_wait3A_660 : memref<128x32xf32, #tpu.memory_space<vmem>>) dst(%dma_wait3A_664 : memref<32784x32xf32, #tpu.memory_space<vmem_shared>>)
                tpu.yield
              }) : () -> ()
            } else {
            }
            %get3A_480 = arith.constant 0 : index
            %get3A_481 = tpu.vector_load %arg6[%get3A_480] {strides = array<i32>} : memref<144xi32, #tpu.memory_space<vmem>>, vector<16xi32>,
            %mul3A_482 = arith.constant 128 : i32
            %mul3A_483 = arith.muli %get3A_471, %mul3A_482 : i32
            %add3A_484 = arith.constant 0 : i32
            %add3A_485 = arith.addi %mul3A_483, %add3A_484 : i32
            %swap3A_486 = arith.index_cast %add3A_485 : i32 to index
            %swap3A_487 = tpu.vector_load %arg8[%swap3A_486] {strides = array<i32>} : memref<256xi32, #tpu.memory_space<vmem>>, vector<16xi32>,
            tpu.vector_store %arg8[%swap3A_486], %get3A_481 {strides = array<i32>} : memref<256xi32, #tpu.memory_space<vmem>>, vector<16xi32>,
            %get3A_488 = arith.constant 0 : index
            %get3A_489 = tpu.vector_load %arg7[%get3A_488] {strides = array<i32>} : memref<144xi32, #tpu.memory_space<vmem>>, vector<16xi32>,
            %mul3A_490 = arith.constant 128 : i32
            %mul3A_491 = arith.muli %get3A_471, %mul3A_490 : i32
            %add3A_492 = arith.constant 0 : i32
            %add3A_493 = arith.addi %mul3A_491, %add3A_492 : i32
            %swap3A_494 = arith.index_cast %add3A_493 : i32 to index
            %swap3A_495 = tpu.vector_load %arg9[%swap3A_494] {strides = array<i32>} : memref<256xi32, #tpu.memory_space<vmem>>, vector<16xi32>,
            tpu.vector_store %arg9[%swap3A_494], %get3A_489 {strides = array<i32>} : memref<256xi32, #tpu.memory_space<vmem>>, vector<16xi32>,
            %get3A_496 = arith.constant 16 : index
            %get3A_497 = tpu.vector_load %arg6[%get3A_496] {strides = array<i32>} : memref<144xi32, #tpu.memory_space<vmem>>, vector<16xi32>,
            %mul3A_498 = arith.constant 128 : i32
            %mul3A_499 = arith.muli %get3A_471, %mul3A_498 : i32
            %add3A_500 = arith.constant 16 : i32
            %add3A_501 = arith.addi %mul3A_499, %add3A_500 : i32
            %swap3A_502 = arith.index_cast %add3A_501 : i32 to index
            %swap3A_503 = tpu.vector_load %arg8[%swap3A_502] {strides = array<i32>} : memref<256xi32, #tpu.memory_space<vmem>>, vector<16xi32>,
            tpu.vector_store %arg8[%swap3A_502], %get3A_497 {strides = array<i32>} : memref<256xi32, #tpu.memory_space<vmem>>, vector<16xi32>,
            %get3A_504 = arith.constant 16 : index
            %get3A_505 = tpu.vector_load %arg7[%get3A_504] {strides = array<i32>} : memref<144xi32, #tpu.memory_space<vmem>>, vector<16xi32>,
            %mul3A_506 = arith.constant 128 : i32
            %mul3A_507 = arith.muli %get3A_471, %mul3A_506 : i32
            %add3A_508 = arith.constant 16 : i32
            %add3A_509 = arith.addi %mul3A_507, %add3A_508 : i32
            %swap3A_510 = arith.index_cast %add3A_509 : i32 to index
            %swap3A_511 = tpu.vector_load %arg9[%swap3A_510] {strides = array<i32>} : memref<256xi32, #tpu.memory_space<vmem>>, vector<16xi32>,
            tpu.vector_store %arg9[%swap3A_510], %get3A_505 {strides = array<i32>} : memref<256xi32, #tpu.memory_space<vmem>>, vector<16xi32>,
            %get3A_512 = arith.constant 32 : index
            %get3A_513 = tpu.vector_load %arg6[%get3A_512] {strides = array<i32>} : memref<144xi32, #tpu.memory_space<vmem>>, vector<16xi32>,
            %mul3A_514 = arith.constant 128 : i32
            %mul3A_515 = arith.muli %get3A_471, %mul3A_514 : i32
            %add3A_516 = arith.constant 32 : i32
            %add3A_517 = arith.addi %mul3A_515, %add3A_516 : i32
            %swap3A_518 = arith.index_cast %add3A_517 : i32 to index
            %swap3A_519 = tpu.vector_load %arg8[%swap3A_518] {strides = array<i32>} : memref<256xi32, #tpu.memory_space<vmem>>, vector<16xi32>,
            tpu.vector_store %arg8[%swap3A_518], %get3A_513 {strides = array<i32>} : memref<256xi32, #tpu.memory_space<vmem>>, vector<16xi32>,
            %get3A_520 = arith.constant 32 : index
            %get3A_521 = tpu.vector_load %arg7[%get3A_520] {strides = array<i32>} : memref<144xi32, #tpu.memory_space<vmem>>, vector<16xi32>,
            %mul3A_522 = arith.constant 128 : i32
            %mul3A_523 = arith.muli %get3A_471, %mul3A_522 : i32
            %add3A_524 = arith.constant 32 : i32
            %add3A_525 = arith.addi %mul3A_523, %add3A_524 : i32
            %swap3A_526 = arith.index_cast %add3A_525 : i32 to index
            %swap3A_527 = tpu.vector_load %arg9[%swap3A_526] {strides = array<i32>} : memref<256xi32, #tpu.memory_space<vmem>>, vector<16xi32>,
            tpu.vector_store %arg9[%swap3A_526], %get3A_521 {strides = array<i32>} : memref<256xi32, #tpu.memory_space<vmem>>, vector<16xi32>,
            %get3A_528 = arith.constant 48 : index
            %get3A_529 = tpu.vector_load %arg6[%get3A_528] {strides = array<i32>} : memref<144xi32, #tpu.memory_space<vmem>>, vector<16xi32>,
            %mul3A_530 = arith.constant 128 : i32
            %mul3A_531 = arith.muli %get3A_471, %mul3A_530 : i32
            %add3A_532 = arith.constant 48 : i32
            %add3A_533 = arith.addi %mul3A_531, %add3A_532 : i32
            %swap3A_534 = arith.index_cast %add3A_533 : i32 to index
            %swap3A_535 = tpu.vector_load %arg8[%swap3A_534] {strides = array<i32>} : memref<256xi32, #tpu.memory_space<vmem>>, vector<16xi32>,
            tpu.vector_store %arg8[%swap3A_534], %get3A_529 {strides = array<i32>} : memref<256xi32, #tpu.memory_space<vmem>>, vector<16xi32>,
            %get3A_536 = arith.constant 48 : index
            %get3A_537 = tpu.vector_load %arg7[%get3A_536] {strides = array<i32>} : memref<144xi32, #tpu.memory_space<vmem>>, vector<16xi32>,
            %mul3A_538 = arith.constant 128 : i32
            %mul3A_539 = arith.muli %get3A_471, %mul3A_538 : i32
            %add3A_540 = arith.constant 48 : i32
            %add3A_541 = arith.addi %mul3A_539, %add3A_540 : i32
            %swap3A_542 = arith.index_cast %add3A_541 : i32 to index
            %swap3A_543 = tpu.vector_load %arg9[%swap3A_542] {strides = array<i32>} : memref<256xi32, #tpu.memory_space<vmem>>, vector<16xi32>,
            tpu.vector_store %arg9[%swap3A_542], %get3A_537 {strides = array<i32>} : memref<256xi32, #tpu.memory_space<vmem>>, vector<16xi32>,
            %get3A_544 = arith.constant 64 : index
            %get3A_545 = tpu.vector_load %arg6[%get3A_544] {strides = array<i32>} : memref<144xi32, #tpu.memory_space<vmem>>, vector<16xi32>,
            %mul3A_546 = arith.constant 128 : i32
            %mul3A_547 = arith.muli %get3A_471, %mul3A_546 : i32
            %add3A_548 = arith.constant 64 : i32
            %add3A_549 = arith.addi %mul3A_547, %add3A_548 : i32
            %swap3A_550 = arith.index_cast %add3A_549 : i32 to index
            %swap3A_551 = tpu.vector_load %arg8[%swap3A_550] {strides = array<i32>} : memref<256xi32, #tpu.memory_space<vmem>>, vector<16xi32>,
            tpu.vector_store %arg8[%swap3A_550], %get3A_545 {strides = array<i32>} : memref<256xi32, #tpu.memory_space<vmem>>, vector<16xi32>,
            %get3A_552 = arith.constant 64 : index
            %get3A_553 = tpu.vector_load %arg7[%get3A_552] {strides = array<i32>} : memref<144xi32, #tpu.memory_space<vmem>>, vector<16xi32>,
            %mul3A_554 = arith.constant 128 : i32
            %mul3A_555 = arith.muli %get3A_471, %mul3A_554 : i32
            %add3A_556 = arith.constant 64 : i32
            %add3A_557 = arith.addi %mul3A_555, %add3A_556 : i32
            %swap3A_558 = arith.index_cast %add3A_557 : i32 to index
            %swap3A_559 = tpu.vector_load %arg9[%swap3A_558] {strides = array<i32>} : memref<256xi32, #tpu.memory_space<vmem>>, vector<16xi32>,
            tpu.vector_store %arg9[%swap3A_558], %get3A_553 {strides = array<i32>} : memref<256xi32, #tpu.memory_space<vmem>>, vector<16xi32>,
            %get3A_560 = arith.constant 80 : index
            %get3A_561 = tpu.vector_load %arg6[%get3A_560] {strides = array<i32>} : memref<144xi32, #tpu.memory_space<vmem>>, vector<16xi32>,
            %mul3A_562 = arith.constant 128 : i32
            %mul3A_563 = arith.muli %get3A_471, %mul3A_562 : i32
            %add3A_564 = arith.constant 80 : i32
            %add3A_565 = arith.addi %mul3A_563, %add3A_564 : i32
            %swap3A_566 = arith.index_cast %add3A_565 : i32 to index
            %swap3A_567 = tpu.vector_load %arg8[%swap3A_566] {strides = array<i32>} : memref<256xi32, #tpu.memory_space<vmem>>, vector<16xi32>,
            tpu.vector_store %arg8[%swap3A_566], %get3A_561 {strides = array<i32>} : memref<256xi32, #tpu.memory_space<vmem>>, vector<16xi32>,
            %get3A_568 = arith.constant 80 : index
            %get3A_569 = tpu.vector_load %arg7[%get3A_568] {strides = array<i32>} : memref<144xi32, #tpu.memory_space<vmem>>, vector<16xi32>,
            %mul3A_570 = arith.constant 128 : i32
            %mul3A_571 = arith.muli %get3A_471, %mul3A_570 : i32
            %add3A_572 = arith.constant 80 : i32
            %add3A_573 = arith.addi %mul3A_571, %add3A_572 : i32
            %swap3A_574 = arith.index_cast %add3A_573 : i32 to index
            %swap3A_575 = tpu.vector_load %arg9[%swap3A_574] {strides = array<i32>} : memref<256xi32, #tpu.memory_space<vmem>>, vector<16xi32>,
            tpu.vector_store %arg9[%swap3A_574], %get3A_569 {strides = array<i32>} : memref<256xi32, #tpu.memory_space<vmem>>, vector<16xi32>,
            %get3A_576 = arith.constant 96 : index
            %get3A_577 = tpu.vector_load %arg6[%get3A_576] {strides = array<i32>} : memref<144xi32, #tpu.memory_space<vmem>>, vector<16xi32>,
            %mul3A_578 = arith.constant 128 : i32
            %mul3A_579 = arith.muli %get3A_471, %mul3A_578 : i32
            %add3A_580 = arith.constant 96 : i32
            %add3A_581 = arith.addi %mul3A_579, %add3A_580 : i32
            %swap3A_582 = arith.index_cast %add3A_581 : i32 to index
            %swap3A_583 = tpu.vector_load %arg8[%swap3A_582] {strides = array<i32>} : memref<256xi32, #tpu.memory_space<vmem>>, vector<16xi32>,
            tpu.vector_store %arg8[%swap3A_582], %get3A_577 {strides = array<i32>} : memref<256xi32, #tpu.memory_space<vmem>>, vector<16xi32>,
            %get3A_584 = arith.constant 96 : index
            %get3A_585 = tpu.vector_load %arg7[%get3A_584] {strides = array<i32>} : memref<144xi32, #tpu.memory_space<vmem>>, vector<16xi32>,
            %mul3A_586 = arith.constant 128 : i32
            %mul3A_587 = arith.muli %get3A_471, %mul3A_586 : i32
            %add3A_588 = arith.constant 96 : i32
            %add3A_589 = arith.addi %mul3A_587, %add3A_588 : i32
            %swap3A_590 = arith.index_cast %add3A_589 : i32 to index
            %swap3A_591 = tpu.vector_load %arg9[%swap3A_590] {strides = array<i32>} : memref<256xi32, #tpu.memory_space<vmem>>, vector<16xi32>,
            tpu.vector_store %arg9[%swap3A_590], %get3A_585 {strides = array<i32>} : memref<256xi32, #tpu.memory_space<vmem>>, vector<16xi32>,
            %get3A_592 = arith.constant 112 : index
            %get3A_593 = tpu.vector_load %arg6[%get3A_592] {strides = array<i32>} : memref<144xi32, #tpu.memory_space<vmem>>, vector<16xi32>,
            %mul3A_594 = arith.constant 128 : i32
            %mul3A_595 = arith.muli %get3A_471, %mul3A_594 : i32
            %add3A_596 = arith.constant 112 : i32
            %add3A_597 = arith.addi %mul3A_595, %add3A_596 : i32
            %swap3A_598 = arith.index_cast %add3A_597 : i32 to index
            %swap3A_599 = tpu.vector_load %arg8[%swap3A_598] {strides = array<i32>} : memref<256xi32, #tpu.memory_space<vmem>>, vector<16xi32>,
            tpu.vector_store %arg8[%swap3A_598], %get3A_593 {strides = array<i32>} : memref<256xi32, #tpu.memory_space<vmem>>, vector<16xi32>,
            %get3A_600 = arith.constant 112 : index
            %get3A_601 = tpu.vector_load %arg7[%get3A_600] {strides = array<i32>} : memref<144xi32, #tpu.memory_space<vmem>>, vector<16xi32>,
            %mul3A_602 = arith.constant 128 : i32
            %mul3A_603 = arith.muli %get3A_471, %mul3A_602 : i32
            %add3A_604 = arith.constant 112 : i32
            %add3A_605 = arith.addi %mul3A_603, %add3A_604 : i32
            %swap3A_606 = arith.index_cast %add3A_605 : i32 to index
            %swap3A_607 = tpu.vector_load %arg9[%swap3A_606] {strides = array<i32>} : memref<256xi32, #tpu.memory_space<vmem>>, vector<16xi32>,
            tpu.vector_store %arg9[%swap3A_606], %get3A_601 {strides = array<i32>} : memref<256xi32, #tpu.memory_space<vmem>>, vector<16xi32>,
            %mul3A_608 = arith.constant 128 : i32
            %mul3A_609 = arith.muli %get3A_471, %mul3A_608 : i32
            "tpu.region"() ({
              %run_scoped3A = tpu.sem_alloc : memref<!tpu.dma_semaphore, #tpu.memory_space<semaphore_mem>>
              %dma_start3A_637 = tpu.memref_slice %arg8[%mul3A_609] : memref<256xi32, #tpu.memory_space<vmem>> -> memref<128xi32, #tpu.memory_space<vmem>>
              %dma_start3A_638 = arith.constant 0 : i32
              %dma_start3A_639 = arith.constant 0 : i32
              %dma_start3A_640 = tpu.memref_slice %arg19[%dma_start3A_638, %dma_start3A_639] : memref<32784x16xf32, #tpu.memory_space<vmem_shared>> -> memref<32784x16xf32, #tpu.memory_space<vmem_shared>>
              tpu.enqueue_indirect_dma source(%arg11 : memref<128x16xf32, #tpu.memory_space<vmem>>) target(%dma_start3A_640 : memref<32784x16xf32, #tpu.memory_space<vmem_shared>>) offsets(%dma_start3A_637 : memref<128xi32, #tpu.memory_space<vmem>>) semaphore(%run_scoped3A : memref<!tpu.dma_semaphore, #tpu.memory_space<semaphore_mem>>) {add = true}
              %dma_wait3A_641 = tpu.memref_slice %arg8[%mul3A_609] : memref<256xi32, #tpu.memory_space<vmem>> -> memref<128xi32, #tpu.memory_space<vmem>>
              %dma_wait3A_642 = arith.constant 0 : i32
              %dma_wait3A_643 = arith.constant 0 : i32
              %dma_wait3A_644 = tpu.memref_slice %arg19[%dma_wait3A_642, %dma_wait3A_643] : memref<32784x16xf32, #tpu.memory_space<vmem_shared>> -> memref<32784x16xf32, #tpu.memory_space<vmem_shared>>
              tpu.wait_indirect_dma semaphore(%run_scoped3A : memref<!tpu.dma_semaphore, #tpu.memory_space<semaphore_mem>>) src(%arg11 : memref<128x16xf32, #tpu.memory_space<vmem>>) dst(%dma_wait3A_644 : memref<32784x16xf32, #tpu.memory_space<vmem_shared>>)
              tpu.yield
            }) : () -> ()
            %mul3A_610 = arith.constant 128 : i32
            %mul3A_611 = arith.muli %get3A_471, %mul3A_610 : i32
            %mul3A_612 = arith.constant 128 : i32
            %mul3A_613 = arith.muli %get3A_471, %mul3A_612 : i32
            %dma_start3A_614 = arith.constant 0 : i32
            %dma_start3A_615 = tpu.memref_slice %arg10[%mul3A_613, %dma_start3A_614] : memref<256x32xf32, #tpu.memory_space<vmem>> -> memref<128x32xf32, #tpu.memory_space<vmem>>
            %dma_start3A_616 = tpu.memref_slice %arg9[%mul3A_611] : memref<256xi32, #tpu.memory_space<vmem>> -> memref<128xi32, #tpu.memory_space<vmem>>
            %dma_start3A_617 = arith.constant 0 : i32
            %dma_start3A_618 = arith.constant 0 : i32
            %dma_start3A_619 = tpu.memref_slice %arg3[%dma_start3A_617, %dma_start3A_618] : memref<1000000x32xf32, #tpu.memory_space<hbm>> -> memref<1000000x32xf32, #tpu.memory_space<hbm>>
            tpu.enqueue_indirect_dma source(%dma_start3A_619 : memref<1000000x32xf32, #tpu.memory_space<hbm>>) target(%dma_start3A_615 : memref<128x32xf32, #tpu.memory_space<vmem>>) offsets(%dma_start3A_616 : memref<128xi32, #tpu.memory_space<vmem>>) semaphore(%arg20 : memref<!tpu.dma_semaphore, #tpu.memory_space<semaphore_mem>>)
            %sub3A_620 = arith.constant 1 : i32
            %sub3A_621 = arith.subi %sub3A_620, %get3A_471 : i32
            %swap3A_622 = arith.constant 0 : i32
            %swap3A_623 = arith.index_cast %swap3A_622 : i32 to index
            %swap3A_624 = memref.load %arg17[%swap3A_623] : memref<4xi32, #tpu.memory_space<smem>>
            memref.store %sub3A_621, %arg17[%swap3A_623] : memref<4xi32, #tpu.memory_space<smem>>
            %swap3A_625 = arith.constant 1 : i32
            %swap3A_626 = arith.constant 1 : i32
            %swap3A_627 = arith.index_cast %swap3A_626 : i32 to index
            %swap3A_628 = memref.load %arg17[%swap3A_627] : memref<4xi32, #tpu.memory_space<smem>>
            memref.store %swap3A_625, %arg17[%swap3A_627] : memref<4xi32, #tpu.memory_space<smem>>
            %get3A_629 = arith.constant 128 : index
            %get3A_630 = tpu.vector_load %arg6[%get3A_629] {strides = array<i32>} : memref<144xi32, #tpu.memory_space<vmem>>, vector<16xi32>,
            %swap3A_631 = arith.constant 0 : index
            %swap3A_632 = tpu.vector_load %arg6[%swap3A_631] {strides = array<i32>} : memref<144xi32, #tpu.memory_space<vmem>>, vector<16xi32>,
            tpu.vector_store %arg6[%swap3A_631], %get3A_630 {strides = array<i32>} : memref<144xi32, #tpu.memory_space<vmem>>, vector<16xi32>,
            %get3A_633 = arith.constant 128 : index
            %get3A_634 = tpu.vector_load %arg7[%get3A_633] {strides = array<i32>} : memref<144xi32, #tpu.memory_space<vmem>>, vector<16xi32>,
            %swap3A_635 = arith.constant 0 : index
            %swap3A_636 = tpu.vector_load %arg7[%swap3A_635] {strides = array<i32>} : memref<144xi32, #tpu.memory_space<vmem>>, vector<16xi32>,
            tpu.vector_store %arg7[%swap3A_635], %get3A_634 {strides = array<i32>} : memref<144xi32, #tpu.memory_space<vmem>>, vector<16xi32>,
          } else {
          }
          %ge3A_464 = arith.constant 128 : i32
          %ge3A_465 = arith.cmpi sge, %add3A_459, %ge3A_464 : i32
          %sub3A_466 = arith.constant 128 : i32
          %sub3A_467 = arith.subi %add3A_459, %sub3A_466 : i32
          %select_n3A_468 = arith.select %ge3A_465, %sub3A_467, %add3A_459 : i32
          scf.yield %select_n3A_468 : i32
        }
        %scan3A_421 = arith.constant 128 : i32
        scf.yield %scan3A_420 : i32
      }
      %scan3A_55 = arith.constant 31 : i32
      %add3A_56 = arith.constant 0 : i32
      %add3A_57 = vector.broadcast %add3A_56 : i32 to vector<16xi32>
      %add3A_58 = arith.addi %add3A_57, %iota3A : vector<16xi32>
      %get3A = arith.constant 0 : index
      %get3A_59 = tpu.vector_load %arg6[%get3A] {strides = array<i32>} : memref<144xi32, #tpu.memory_space<vmem>>, vector<16xi32>,
      %lt3A = vector.broadcast %scan3A_54 : i32 to vector<16xi32>
      %lt3A_60 = arith.cmpi slt, %add3A_58, %lt3A : vector<16xi32>
      %jit3A = arith.constant 32768 : i32
      %broadcast_in_dim3A_61 = vector.broadcast %jit3A : i32 to vector<16xi32>
      %select_n3A = arith.select %lt3A_60, %get3A_59, %broadcast_in_dim3A_61 : vector<16xi1>, vector<16xi32>
      %swap3A_62 = arith.constant 0 : index
      %swap3A_63 = tpu.vector_load %arg6[%swap3A_62] {strides = array<i32>} : memref<144xi32, #tpu.memory_space<vmem>>, vector<16xi32>,
      tpu.vector_store %arg6[%swap3A_62], %select_n3A {strides = array<i32>} : memref<144xi32, #tpu.memory_space<vmem>>, vector<16xi32>,
      %get3A_64 = arith.constant 0 : index
      %get3A_65 = tpu.vector_load %arg7[%get3A_64] {strides = array<i32>} : memref<144xi32, #tpu.memory_space<vmem>>, vector<16xi32>,
      %lt3A_66 = vector.broadcast %scan3A_54 : i32 to vector<16xi32>
      %lt3A_67 = arith.cmpi slt, %add3A_58, %lt3A_66 : vector<16xi32>
      %jit3A_68 = arith.constant 0 : i32
      %broadcast_in_dim3A_69 = vector.broadcast %jit3A_68 : i32 to vector<16xi32>
      %select_n3A_70 = arith.select %lt3A_67, %get3A_65, %broadcast_in_dim3A_69 : vector<16xi1>, vector<16xi32>
      %swap3A_71 = arith.constant 0 : index
      %swap3A_72 = tpu.vector_load %arg7[%swap3A_71] {strides = array<i32>} : memref<144xi32, #tpu.memory_space<vmem>>, vector<16xi32>,
      tpu.vector_store %arg7[%swap3A_71], %select_n3A_70 {strides = array<i32>} : memref<144xi32, #tpu.memory_space<vmem>>, vector<16xi32>,
      %add3A_73 = arith.constant 16 : i32
      %add3A_74 = vector.broadcast %add3A_73 : i32 to vector<16xi32>
      %add3A_75 = arith.addi %add3A_74, %iota3A : vector<16xi32>
      %get3A_76 = arith.constant 16 : index
      %get3A_77 = tpu.vector_load %arg6[%get3A_76] {strides = array<i32>} : memref<144xi32, #tpu.memory_space<vmem>>, vector<16xi32>,
      %lt3A_78 = vector.broadcast %scan3A_54 : i32 to vector<16xi32>
      %lt3A_79 = arith.cmpi slt, %add3A_75, %lt3A_78 : vector<16xi32>
      %jit3A_80 = arith.constant 32768 : i32
      %broadcast_in_dim3A_81 = vector.broadcast %jit3A_80 : i32 to vector<16xi32>
      %select_n3A_82 = arith.select %lt3A_79, %get3A_77, %broadcast_in_dim3A_81 : vector<16xi1>, vector<16xi32>
      %swap3A_83 = arith.constant 16 : index
      %swap3A_84 = tpu.vector_load %arg6[%swap3A_83] {strides = array<i32>} : memref<144xi32, #tpu.memory_space<vmem>>, vector<16xi32>,
      tpu.vector_store %arg6[%swap3A_83], %select_n3A_82 {strides = array<i32>} : memref<144xi32, #tpu.memory_space<vmem>>, vector<16xi32>,
      %get3A_85 = arith.constant 16 : index
      %get3A_86 = tpu.vector_load %arg7[%get3A_85] {strides = array<i32>} : memref<144xi32, #tpu.memory_space<vmem>>, vector<16xi32>,
      %lt3A_87 = vector.broadcast %scan3A_54 : i32 to vector<16xi32>
      %lt3A_88 = arith.cmpi slt, %add3A_75, %lt3A_87 : vector<16xi32>
      %jit3A_89 = arith.constant 0 : i32
      %broadcast_in_dim3A_90 = vector.broadcast %jit3A_89 : i32 to vector<16xi32>
      %select_n3A_91 = arith.select %lt3A_88, %get3A_86, %broadcast_in_dim3A_90 : vector<16xi1>, vector<16xi32>
      %swap3A_92 = arith.constant 16 : index
      %swap3A_93 = tpu.vector_load %arg7[%swap3A_92] {strides = array<i32>} : memref<144xi32, #tpu.memory_space<vmem>>, vector<16xi32>,
      tpu.vector_store %arg7[%swap3A_92], %select_n3A_91 {strides = array<i32>} : memref<144xi32, #tpu.memory_space<vmem>>, vector<16xi32>,
      %add3A_94 = arith.constant 32 : i32
      %add3A_95 = vector.broadcast %add3A_94 : i32 to vector<16xi32>
      %add3A_96 = arith.addi %add3A_95, %iota3A : vector<16xi32>
      %get3A_97 = arith.constant 32 : index
      %get3A_98 = tpu.vector_load %arg6[%get3A_97] {strides = array<i32>} : memref<144xi32, #tpu.memory_space<vmem>>, vector<16xi32>,
      %lt3A_99 = vector.broadcast %scan3A_54 : i32 to vector<16xi32>
      %lt3A_100 = arith.cmpi slt, %add3A_96, %lt3A_99 : vector<16xi32>
      %jit3A_101 = arith.constant 32768 : i32
      %broadcast_in_dim3A_102 = vector.broadcast %jit3A_101 : i32 to vector<16xi32>
      %select_n3A_103 = arith.select %lt3A_100, %get3A_98, %broadcast_in_dim3A_102 : vector<16xi1>, vector<16xi32>
      %swap3A_104 = arith.constant 32 : index
      %swap3A_105 = tpu.vector_load %arg6[%swap3A_104] {strides = array<i32>} : memref<144xi32, #tpu.memory_space<vmem>>, vector<16xi32>,
      tpu.vector_store %arg6[%swap3A_104], %select_n3A_103 {strides = array<i32>} : memref<144xi32, #tpu.memory_space<vmem>>, vector<16xi32>,
      %get3A_106 = arith.constant 32 : index
      %get3A_107 = tpu.vector_load %arg7[%get3A_106] {strides = array<i32>} : memref<144xi32, #tpu.memory_space<vmem>>, vector<16xi32>,
      %lt3A_108 = vector.broadcast %scan3A_54 : i32 to vector<16xi32>
      %lt3A_109 = arith.cmpi slt, %add3A_96, %lt3A_108 : vector<16xi32>
      %jit3A_110 = arith.constant 0 : i32
      %broadcast_in_dim3A_111 = vector.broadcast %jit3A_110 : i32 to vector<16xi32>
      %select_n3A_112 = arith.select %lt3A_109, %get3A_107, %broadcast_in_dim3A_111 : vector<16xi1>, vector<16xi32>
      %swap3A_113 = arith.constant 32 : index
      %swap3A_114 = tpu.vector_load %arg7[%swap3A_113] {strides = array<i32>} : memref<144xi32, #tpu.memory_space<vmem>>, vector<16xi32>,
      tpu.vector_store %arg7[%swap3A_113], %select_n3A_112 {strides = array<i32>} : memref<144xi32, #tpu.memory_space<vmem>>, vector<16xi32>,
      %add3A_115 = arith.constant 48 : i32
      %add3A_116 = vector.broadcast %add3A_115 : i32 to vector<16xi32>
      %add3A_117 = arith.addi %add3A_116, %iota3A : vector<16xi32>
      %get3A_118 = arith.constant 48 : index
      %get3A_119 = tpu.vector_load %arg6[%get3A_118] {strides = array<i32>} : memref<144xi32, #tpu.memory_space<vmem>>, vector<16xi32>,
      %lt3A_120 = vector.broadcast %scan3A_54 : i32 to vector<16xi32>
      %lt3A_121 = arith.cmpi slt, %add3A_117, %lt3A_120 : vector<16xi32>
      %jit3A_122 = arith.constant 32768 : i32
      %broadcast_in_dim3A_123 = vector.broadcast %jit3A_122 : i32 to vector<16xi32>
      %select_n3A_124 = arith.select %lt3A_121, %get3A_119, %broadcast_in_dim3A_123 : vector<16xi1>, vector<16xi32>
      %swap3A_125 = arith.constant 48 : index
      %swap3A_126 = tpu.vector_load %arg6[%swap3A_125] {strides = array<i32>} : memref<144xi32, #tpu.memory_space<vmem>>, vector<16xi32>,
      tpu.vector_store %arg6[%swap3A_125], %select_n3A_124 {strides = array<i32>} : memref<144xi32, #tpu.memory_space<vmem>>, vector<16xi32>,
      %get3A_127 = arith.constant 48 : index
      %get3A_128 = tpu.vector_load %arg7[%get3A_127] {strides = array<i32>} : memref<144xi32, #tpu.memory_space<vmem>>, vector<16xi32>,
      %lt3A_129 = vector.broadcast %scan3A_54 : i32 to vector<16xi32>
      %lt3A_130 = arith.cmpi slt, %add3A_117, %lt3A_129 : vector<16xi32>
      %jit3A_131 = arith.constant 0 : i32
      %broadcast_in_dim3A_132 = vector.broadcast %jit3A_131 : i32 to vector<16xi32>
      %select_n3A_133 = arith.select %lt3A_130, %get3A_128, %broadcast_in_dim3A_132 : vector<16xi1>, vector<16xi32>
      %swap3A_134 = arith.constant 48 : index
      %swap3A_135 = tpu.vector_load %arg7[%swap3A_134] {strides = array<i32>} : memref<144xi32, #tpu.memory_space<vmem>>, vector<16xi32>,
      tpu.vector_store %arg7[%swap3A_134], %select_n3A_133 {strides = array<i32>} : memref<144xi32, #tpu.memory_space<vmem>>, vector<16xi32>,
      %add3A_136 = arith.constant 64 : i32
      %add3A_137 = vector.broadcast %add3A_136 : i32 to vector<16xi32>
      %add3A_138 = arith.addi %add3A_137, %iota3A : vector<16xi32>
      %get3A_139 = arith.constant 64 : index
      %get3A_140 = tpu.vector_load %arg6[%get3A_139] {strides = array<i32>} : memref<144xi32, #tpu.memory_space<vmem>>, vector<16xi32>,
      %lt3A_141 = vector.broadcast %scan3A_54 : i32 to vector<16xi32>
      %lt3A_142 = arith.cmpi slt, %add3A_138, %lt3A_141 : vector<16xi32>
      %jit3A_143 = arith.constant 32768 : i32
      %broadcast_in_dim3A_144 = vector.broadcast %jit3A_143 : i32 to vector<16xi32>
      %select_n3A_145 = arith.select %lt3A_142, %get3A_140, %broadcast_in_dim3A_144 : vector<16xi1>, vector<16xi32>
      %swap3A_146 = arith.constant 64 : index
      %swap3A_147 = tpu.vector_load %arg6[%swap3A_146] {strides = array<i32>} : memref<144xi32, #tpu.memory_space<vmem>>, vector<16xi32>,
      tpu.vector_store %arg6[%swap3A_146], %select_n3A_145 {strides = array<i32>} : memref<144xi32, #tpu.memory_space<vmem>>, vector<16xi32>,
      %get3A_148 = arith.constant 64 : index
      %get3A_149 = tpu.vector_load %arg7[%get3A_148] {strides = array<i32>} : memref<144xi32, #tpu.memory_space<vmem>>, vector<16xi32>,
      %lt3A_150 = vector.broadcast %scan3A_54 : i32 to vector<16xi32>
      %lt3A_151 = arith.cmpi slt, %add3A_138, %lt3A_150 : vector<16xi32>
      %jit3A_152 = arith.constant 0 : i32
      %broadcast_in_dim3A_153 = vector.broadcast %jit3A_152 : i32 to vector<16xi32>
      %select_n3A_154 = arith.select %lt3A_151, %get3A_149, %broadcast_in_dim3A_153 : vector<16xi1>, vector<16xi32>
      %swap3A_155 = arith.constant 64 : index
      %swap3A_156 = tpu.vector_load %arg7[%swap3A_155] {strides = array<i32>} : memref<144xi32, #tpu.memory_space<vmem>>, vector<16xi32>,
      tpu.vector_store %arg7[%swap3A_155], %select_n3A_154 {strides = array<i32>} : memref<144xi32, #tpu.memory_space<vmem>>, vector<16xi32>,
      %add3A_157 = arith.constant 80 : i32
      %add3A_158 = vector.broadcast %add3A_157 : i32 to vector<16xi32>
      %add3A_159 = arith.addi %add3A_158, %iota3A : vector<16xi32>
      %get3A_160 = arith.constant 80 : index
      %get3A_161 = tpu.vector_load %arg6[%get3A_160] {strides = array<i32>} : memref<144xi32, #tpu.memory_space<vmem>>, vector<16xi32>,
      %lt3A_162 = vector.broadcast %scan3A_54 : i32 to vector<16xi32>
      %lt3A_163 = arith.cmpi slt, %add3A_159, %lt3A_162 : vector<16xi32>
      %jit3A_164 = arith.constant 32768 : i32
      %broadcast_in_dim3A_165 = vector.broadcast %jit3A_164 : i32 to vector<16xi32>
      %select_n3A_166 = arith.select %lt3A_163, %get3A_161, %broadcast_in_dim3A_165 : vector<16xi1>, vector<16xi32>
      %swap3A_167 = arith.constant 80 : index
      %swap3A_168 = tpu.vector_load %arg6[%swap3A_167] {strides = array<i32>} : memref<144xi32, #tpu.memory_space<vmem>>, vector<16xi32>,
      tpu.vector_store %arg6[%swap3A_167], %select_n3A_166 {strides = array<i32>} : memref<144xi32, #tpu.memory_space<vmem>>, vector<16xi32>,
      %get3A_169 = arith.constant 80 : index
      %get3A_170 = tpu.vector_load %arg7[%get3A_169] {strides = array<i32>} : memref<144xi32, #tpu.memory_space<vmem>>, vector<16xi32>,
      %lt3A_171 = vector.broadcast %scan3A_54 : i32 to vector<16xi32>
      %lt3A_172 = arith.cmpi slt, %add3A_159, %lt3A_171 : vector<16xi32>
      %jit3A_173 = arith.constant 0 : i32
      %broadcast_in_dim3A_174 = vector.broadcast %jit3A_173 : i32 to vector<16xi32>
      %select_n3A_175 = arith.select %lt3A_172, %get3A_170, %broadcast_in_dim3A_174 : vector<16xi1>, vector<16xi32>
      %swap3A_176 = arith.constant 80 : index
      %swap3A_177 = tpu.vector_load %arg7[%swap3A_176] {strides = array<i32>} : memref<144xi32, #tpu.memory_space<vmem>>, vector<16xi32>,
      tpu.vector_store %arg7[%swap3A_176], %select_n3A_175 {strides = array<i32>} : memref<144xi32, #tpu.memory_space<vmem>>, vector<16xi32>,
      %add3A_178 = arith.constant 96 : i32
      %add3A_179 = vector.broadcast %add3A_178 : i32 to vector<16xi32>
      %add3A_180 = arith.addi %add3A_179, %iota3A : vector<16xi32>
      %get3A_181 = arith.constant 96 : index
      %get3A_182 = tpu.vector_load %arg6[%get3A_181] {strides = array<i32>} : memref<144xi32, #tpu.memory_space<vmem>>, vector<16xi32>,
      %lt3A_183 = vector.broadcast %scan3A_54 : i32 to vector<16xi32>
      %lt3A_184 = arith.cmpi slt, %add3A_180, %lt3A_183 : vector<16xi32>
      %jit3A_185 = arith.constant 32768 : i32
      %broadcast_in_dim3A_186 = vector.broadcast %jit3A_185 : i32 to vector<16xi32>
      %select_n3A_187 = arith.select %lt3A_184, %get3A_182, %broadcast_in_dim3A_186 : vector<16xi1>, vector<16xi32>
      %swap3A_188 = arith.constant 96 : index
      %swap3A_189 = tpu.vector_load %arg6[%swap3A_188] {strides = array<i32>} : memref<144xi32, #tpu.memory_space<vmem>>, vector<16xi32>,
      tpu.vector_store %arg6[%swap3A_188], %select_n3A_187 {strides = array<i32>} : memref<144xi32, #tpu.memory_space<vmem>>, vector<16xi32>,
      %get3A_190 = arith.constant 96 : index
      %get3A_191 = tpu.vector_load %arg7[%get3A_190] {strides = array<i32>} : memref<144xi32, #tpu.memory_space<vmem>>, vector<16xi32>,
      %lt3A_192 = vector.broadcast %scan3A_54 : i32 to vector<16xi32>
      %lt3A_193 = arith.cmpi slt, %add3A_180, %lt3A_192 : vector<16xi32>
      %jit3A_194 = arith.constant 0 : i32
      %broadcast_in_dim3A_195 = vector.broadcast %jit3A_194 : i32 to vector<16xi32>
      %select_n3A_196 = arith.select %lt3A_193, %get3A_191, %broadcast_in_dim3A_195 : vector<16xi1>, vector<16xi32>
      %swap3A_197 = arith.constant 96 : index
      %swap3A_198 = tpu.vector_load %arg7[%swap3A_197] {strides = array<i32>} : memref<144xi32, #tpu.memory_space<vmem>>, vector<16xi32>,
      tpu.vector_store %arg7[%swap3A_197], %select_n3A_196 {strides = array<i32>} : memref<144xi32, #tpu.memory_space<vmem>>, vector<16xi32>,
      %add3A_199 = arith.constant 112 : i32
      %add3A_200 = vector.broadcast %add3A_199 : i32 to vector<16xi32>
      %add3A_201 = arith.addi %add3A_200, %iota3A : vector<16xi32>
      %get3A_202 = arith.constant 112 : index
      %get3A_203 = tpu.vector_load %arg6[%get3A_202] {strides = array<i32>} : memref<144xi32, #tpu.memory_space<vmem>>, vector<16xi32>,
      %lt3A_204 = vector.broadcast %scan3A_54 : i32 to vector<16xi32>
      %lt3A_205 = arith.cmpi slt, %add3A_201, %lt3A_204 : vector<16xi32>
      %jit3A_206 = arith.constant 32768 : i32
      %broadcast_in_dim3A_207 = vector.broadcast %jit3A_206 : i32 to vector<16xi32>
      %select_n3A_208 = arith.select %lt3A_205, %get3A_203, %broadcast_in_dim3A_207 : vector<16xi1>, vector<16xi32>
      %swap3A_209 = arith.constant 112 : index
      %swap3A_210 = tpu.vector_load %arg6[%swap3A_209] {strides = array<i32>} : memref<144xi32, #tpu.memory_space<vmem>>, vector<16xi32>,
      tpu.vector_store %arg6[%swap3A_209], %select_n3A_208 {strides = array<i32>} : memref<144xi32, #tpu.memory_space<vmem>>, vector<16xi32>,
      %get3A_211 = arith.constant 112 : index
      %get3A_212 = tpu.vector_load %arg7[%get3A_211] {strides = array<i32>} : memref<144xi32, #tpu.memory_space<vmem>>, vector<16xi32>,
      %lt3A_213 = vector.broadcast %scan3A_54 : i32 to vector<16xi32>
      %lt3A_214 = arith.cmpi slt, %add3A_201, %lt3A_213 : vector<16xi32>
      %jit3A_215 = arith.constant 0 : i32
      %broadcast_in_dim3A_216 = vector.broadcast %jit3A_215 : i32 to vector<16xi32>
      %select_n3A_217 = arith.select %lt3A_214, %get3A_212, %broadcast_in_dim3A_216 : vector<16xi1>, vector<16xi32>
      %swap3A_218 = arith.constant 112 : index
      %swap3A_219 = tpu.vector_load %arg7[%swap3A_218] {strides = array<i32>} : memref<144xi32, #tpu.memory_space<vmem>>, vector<16xi32>,
      tpu.vector_store %arg7[%swap3A_218], %select_n3A_217 {strides = array<i32>} : memref<144xi32, #tpu.memory_space<vmem>>, vector<16xi32>,
      %get3A_220 = arith.constant 0 : i32
      %get3A_221 = arith.index_cast %get3A_220 : i32 to index
      %get3A_222 = memref.load %arg17[%get3A_221] : memref<4xi32, #tpu.memory_space<smem>>
      %get3A_223 = arith.constant 1 : i32
      %get3A_224 = arith.index_cast %get3A_223 : i32 to index
      %get3A_225 = memref.load %arg17[%get3A_224] : memref<4xi32, #tpu.memory_space<smem>>
      %eq3A = arith.constant 1 : i32
      %eq3A_226 = arith.cmpi eq, %get3A_225, %eq3A : i32
      %convert_element_type3A = arith.extui %eq3A_226 : i1 to i32
      %cond3A = arith.constant 0 : i32
      %cond3A_227 = arith.cmpi ne, %convert_element_type3A, %cond3A : i32
      scf.if %cond3A_227 {
        %sub3A_398 = arith.constant 1 : i32
        %sub3A_399 = arith.subi %sub3A_398, %get3A_222 : i32
        %mul3A_400 = arith.constant 128 : i32
        %mul3A_401 = arith.muli %sub3A_399, %mul3A_400 : i32
        %mul3A_402 = arith.constant 128 : i32
        %mul3A_403 = arith.muli %sub3A_399, %mul3A_402 : i32
        %dma_wait3A = arith.constant 0 : i32
        %dma_wait3A_404 = tpu.memref_slice %arg10[%mul3A_403, %dma_wait3A] : memref<256x32xf32, #tpu.memory_space<vmem>> -> memref<128x32xf32, #tpu.memory_space<vmem>>
        %dma_wait3A_405 = tpu.memref_slice %arg9[%mul3A_401] : memref<256xi32, #tpu.memory_space<vmem>> -> memref<128xi32, #tpu.memory_space<vmem>>
        %dma_wait3A_406 = arith.constant 0 : i32
        %dma_wait3A_407 = arith.constant 0 : i32
        %dma_wait3A_408 = tpu.memref_slice %arg3[%dma_wait3A_406, %dma_wait3A_407] : memref<1000000x32xf32, #tpu.memory_space<hbm>> -> memref<1000000x32xf32, #tpu.memory_space<hbm>>
        tpu.wait_indirect_dma semaphore(%arg20 : memref<!tpu.dma_semaphore, #tpu.memory_space<semaphore_mem>>) src(%dma_wait3A_408 : memref<1000000x32xf32, #tpu.memory_space<hbm>>) dst(%dma_wait3A_404 : memref<128x32xf32, #tpu.memory_space<vmem>>)
        %mul3A_409 = arith.constant 128 : i32
        %mul3A_410 = arith.muli %sub3A_399, %mul3A_409 : i32
        %mul3A_411 = arith.constant 128 : i32
        %mul3A_412 = arith.muli %sub3A_399, %mul3A_411 : i32
        "tpu.region"() ({
          %run_scoped3A = tpu.sem_alloc : memref<!tpu.dma_semaphore, #tpu.memory_space<semaphore_mem>>
          %dma_start3A_413 = arith.constant 0 : i32
          %dma_start3A_414 = tpu.memref_slice %arg10[%mul3A_410, %dma_start3A_413] : memref<256x32xf32, #tpu.memory_space<vmem>> -> memref<128x32xf32, #tpu.memory_space<vmem>>
          %dma_start3A_415 = tpu.memref_slice %arg8[%mul3A_412] : memref<256xi32, #tpu.memory_space<vmem>> -> memref<128xi32, #tpu.memory_space<vmem>>
          %dma_start3A_416 = arith.constant 0 : i32
          %dma_start3A_417 = arith.constant 0 : i32
          %dma_start3A_418 = tpu.memref_slice %arg18[%dma_start3A_416, %dma_start3A_417] : memref<32784x32xf32, #tpu.memory_space<vmem_shared>> -> memref<32784x32xf32, #tpu.memory_space<vmem_shared>>
          tpu.enqueue_indirect_dma source(%dma_start3A_414 : memref<128x32xf32, #tpu.memory_space<vmem>>) target(%dma_start3A_418 : memref<32784x32xf32, #tpu.memory_space<vmem_shared>>) offsets(%dma_start3A_415 : memref<128xi32, #tpu.memory_space<vmem>>) semaphore(%run_scoped3A : memref<!tpu.dma_semaphore, #tpu.memory_space<semaphore_mem>>) {add = true}
          %dma_wait3A_419 = arith.constant 0 : i32
          %dma_wait3A_420 = tpu.memref_slice %arg10[%mul3A_410, %dma_wait3A_419] : memref<256x32xf32, #tpu.memory_space<vmem>> -> memref<128x32xf32, #tpu.memory_space<vmem>>
          %dma_wait3A_421 = tpu.memref_slice %arg8[%mul3A_412] : memref<256xi32, #tpu.memory_space<vmem>> -> memref<128xi32, #tpu.memory_space<vmem>>
          %dma_wait3A_422 = arith.constant 0 : i32
          %dma_wait3A_423 = arith.constant 0 : i32
          %dma_wait3A_424 = tpu.memref_slice %arg18[%dma_wait3A_422, %dma_wait3A_423] : memref<32784x32xf32, #tpu.memory_space<vmem_shared>> -> memref<32784x32xf32, #tpu.memory_space<vmem_shared>>
          tpu.wait_indirect_dma semaphore(%run_scoped3A : memref<!tpu.dma_semaphore, #tpu.memory_space<semaphore_mem>>) src(%dma_wait3A_420 : memref<128x32xf32, #tpu.memory_space<vmem>>) dst(%dma_wait3A_424 : memref<32784x32xf32, #tpu.memory_space<vmem_shared>>)
          tpu.yield
        }) : () -> ()
      } else {
      }
      %get3A_228 = arith.constant 0 : index
      %get3A_229 = tpu.vector_load %arg6[%get3A_228] {strides = array<i32>} : memref<144xi32, #tpu.memory_space<vmem>>, vector<16xi32>,
      %mul3A_230 = arith.constant 128 : i32
      %mul3A_231 = arith.muli %get3A_222, %mul3A_230 : i32
      %add3A_232 = arith.constant 0 : i32
      %add3A_233 = arith.addi %mul3A_231, %add3A_232 : i32
      %swap3A_234 = arith.index_cast %add3A_233 : i32 to index
      %swap3A_235 = tpu.vector_load %arg8[%swap3A_234] {strides = array<i32>} : memref<256xi32, #tpu.memory_space<vmem>>, vector<16xi32>,
      tpu.vector_store %arg8[%swap3A_234], %get3A_229 {strides = array<i32>} : memref<256xi32, #tpu.memory_space<vmem>>, vector<16xi32>,
      %get3A_236 = arith.constant 0 : index
      %get3A_237 = tpu.vector_load %arg7[%get3A_236] {strides = array<i32>} : memref<144xi32, #tpu.memory_space<vmem>>, vector<16xi32>,
      %mul3A_238 = arith.constant 128 : i32
      %mul3A_239 = arith.muli %get3A_222, %mul3A_238 : i32
      %add3A_240 = arith.constant 0 : i32
      %add3A_241 = arith.addi %mul3A_239, %add3A_240 : i32
      %swap3A_242 = arith.index_cast %add3A_241 : i32 to index
      %swap3A_243 = tpu.vector_load %arg9[%swap3A_242] {strides = array<i32>} : memref<256xi32, #tpu.memory_space<vmem>>, vector<16xi32>,
      tpu.vector_store %arg9[%swap3A_242], %get3A_237 {strides = array<i32>} : memref<256xi32, #tpu.memory_space<vmem>>, vector<16xi32>,
      %get3A_244 = arith.constant 16 : index
      %get3A_245 = tpu.vector_load %arg6[%get3A_244] {strides = array<i32>} : memref<144xi32, #tpu.memory_space<vmem>>, vector<16xi32>,
      %mul3A_246 = arith.constant 128 : i32
      %mul3A_247 = arith.muli %get3A_222, %mul3A_246 : i32
      %add3A_248 = arith.constant 16 : i32
      %add3A_249 = arith.addi %mul3A_247, %add3A_248 : i32
      %swap3A_250 = arith.index_cast %add3A_249 : i32 to index
      %swap3A_251 = tpu.vector_load %arg8[%swap3A_250] {strides = array<i32>} : memref<256xi32, #tpu.memory_space<vmem>>, vector<16xi32>,
      tpu.vector_store %arg8[%swap3A_250], %get3A_245 {strides = array<i32>} : memref<256xi32, #tpu.memory_space<vmem>>, vector<16xi32>,
      %get3A_252 = arith.constant 16 : index
      %get3A_253 = tpu.vector_load %arg7[%get3A_252] {strides = array<i32>} : memref<144xi32, #tpu.memory_space<vmem>>, vector<16xi32>,
      %mul3A_254 = arith.constant 128 : i32
      %mul3A_255 = arith.muli %get3A_222, %mul3A_254 : i32
      %add3A_256 = arith.constant 16 : i32
      %add3A_257 = arith.addi %mul3A_255, %add3A_256 : i32
      %swap3A_258 = arith.index_cast %add3A_257 : i32 to index
      %swap3A_259 = tpu.vector_load %arg9[%swap3A_258] {strides = array<i32>} : memref<256xi32, #tpu.memory_space<vmem>>, vector<16xi32>,
      tpu.vector_store %arg9[%swap3A_258], %get3A_253 {strides = array<i32>} : memref<256xi32, #tpu.memory_space<vmem>>, vector<16xi32>,
      %get3A_260 = arith.constant 32 : index
      %get3A_261 = tpu.vector_load %arg6[%get3A_260] {strides = array<i32>} : memref<144xi32, #tpu.memory_space<vmem>>, vector<16xi32>,
      %mul3A_262 = arith.constant 128 : i32
      %mul3A_263 = arith.muli %get3A_222, %mul3A_262 : i32
      %add3A_264 = arith.constant 32 : i32
      %add3A_265 = arith.addi %mul3A_263, %add3A_264 : i32
      %swap3A_266 = arith.index_cast %add3A_265 : i32 to index
      %swap3A_267 = tpu.vector_load %arg8[%swap3A_266] {strides = array<i32>} : memref<256xi32, #tpu.memory_space<vmem>>, vector<16xi32>,
      tpu.vector_store %arg8[%swap3A_266], %get3A_261 {strides = array<i32>} : memref<256xi32, #tpu.memory_space<vmem>>, vector<16xi32>,
      %get3A_268 = arith.constant 32 : index
      %get3A_269 = tpu.vector_load %arg7[%get3A_268] {strides = array<i32>} : memref<144xi32, #tpu.memory_space<vmem>>, vector<16xi32>,
      %mul3A_270 = arith.constant 128 : i32
      %mul3A_271 = arith.muli %get3A_222, %mul3A_270 : i32
      %add3A_272 = arith.constant 32 : i32
      %add3A_273 = arith.addi %mul3A_271, %add3A_272 : i32
      %swap3A_274 = arith.index_cast %add3A_273 : i32 to index
      %swap3A_275 = tpu.vector_load %arg9[%swap3A_274] {strides = array<i32>} : memref<256xi32, #tpu.memory_space<vmem>>, vector<16xi32>,
      tpu.vector_store %arg9[%swap3A_274], %get3A_269 {strides = array<i32>} : memref<256xi32, #tpu.memory_space<vmem>>, vector<16xi32>,
      %get3A_276 = arith.constant 48 : index
      %get3A_277 = tpu.vector_load %arg6[%get3A_276] {strides = array<i32>} : memref<144xi32, #tpu.memory_space<vmem>>, vector<16xi32>,
      %mul3A_278 = arith.constant 128 : i32
      %mul3A_279 = arith.muli %get3A_222, %mul3A_278 : i32
      %add3A_280 = arith.constant 48 : i32
      %add3A_281 = arith.addi %mul3A_279, %add3A_280 : i32
      %swap3A_282 = arith.index_cast %add3A_281 : i32 to index
      %swap3A_283 = tpu.vector_load %arg8[%swap3A_282] {strides = array<i32>} : memref<256xi32, #tpu.memory_space<vmem>>, vector<16xi32>,
      tpu.vector_store %arg8[%swap3A_282], %get3A_277 {strides = array<i32>} : memref<256xi32, #tpu.memory_space<vmem>>, vector<16xi32>,
      %get3A_284 = arith.constant 48 : index
      %get3A_285 = tpu.vector_load %arg7[%get3A_284] {strides = array<i32>} : memref<144xi32, #tpu.memory_space<vmem>>, vector<16xi32>,
      %mul3A_286 = arith.constant 128 : i32
      %mul3A_287 = arith.muli %get3A_222, %mul3A_286 : i32
      %add3A_288 = arith.constant 48 : i32
      %add3A_289 = arith.addi %mul3A_287, %add3A_288 : i32
      %swap3A_290 = arith.index_cast %add3A_289 : i32 to index
      %swap3A_291 = tpu.vector_load %arg9[%swap3A_290] {strides = array<i32>} : memref<256xi32, #tpu.memory_space<vmem>>, vector<16xi32>,
      tpu.vector_store %arg9[%swap3A_290], %get3A_285 {strides = array<i32>} : memref<256xi32, #tpu.memory_space<vmem>>, vector<16xi32>,
      %get3A_292 = arith.constant 64 : index
      %get3A_293 = tpu.vector_load %arg6[%get3A_292] {strides = array<i32>} : memref<144xi32, #tpu.memory_space<vmem>>, vector<16xi32>,
      %mul3A_294 = arith.constant 128 : i32
      %mul3A_295 = arith.muli %get3A_222, %mul3A_294 : i32
      %add3A_296 = arith.constant 64 : i32
      %add3A_297 = arith.addi %mul3A_295, %add3A_296 : i32
      %swap3A_298 = arith.index_cast %add3A_297 : i32 to index
      %swap3A_299 = tpu.vector_load %arg8[%swap3A_298] {strides = array<i32>} : memref<256xi32, #tpu.memory_space<vmem>>, vector<16xi32>,
      tpu.vector_store %arg8[%swap3A_298], %get3A_293 {strides = array<i32>} : memref<256xi32, #tpu.memory_space<vmem>>, vector<16xi32>,
      %get3A_300 = arith.constant 64 : index
      %get3A_301 = tpu.vector_load %arg7[%get3A_300] {strides = array<i32>} : memref<144xi32, #tpu.memory_space<vmem>>, vector<16xi32>,
      %mul3A_302 = arith.constant 128 : i32
      %mul3A_303 = arith.muli %get3A_222, %mul3A_302 : i32
      %add3A_304 = arith.constant 64 : i32
      %add3A_305 = arith.addi %mul3A_303, %add3A_304 : i32
      %swap3A_306 = arith.index_cast %add3A_305 : i32 to index
      %swap3A_307 = tpu.vector_load %arg9[%swap3A_306] {strides = array<i32>} : memref<256xi32, #tpu.memory_space<vmem>>, vector<16xi32>,
      tpu.vector_store %arg9[%swap3A_306], %get3A_301 {strides = array<i32>} : memref<256xi32, #tpu.memory_space<vmem>>, vector<16xi32>,
      %get3A_308 = arith.constant 80 : index
      %get3A_309 = tpu.vector_load %arg6[%get3A_308] {strides = array<i32>} : memref<144xi32, #tpu.memory_space<vmem>>, vector<16xi32>,
      %mul3A_310 = arith.constant 128 : i32
      %mul3A_311 = arith.muli %get3A_222, %mul3A_310 : i32
      %add3A_312 = arith.constant 80 : i32
      %add3A_313 = arith.addi %mul3A_311, %add3A_312 : i32
      %swap3A_314 = arith.index_cast %add3A_313 : i32 to index
      %swap3A_315 = tpu.vector_load %arg8[%swap3A_314] {strides = array<i32>} : memref<256xi32, #tpu.memory_space<vmem>>, vector<16xi32>,
      tpu.vector_store %arg8[%swap3A_314], %get3A_309 {strides = array<i32>} : memref<256xi32, #tpu.memory_space<vmem>>, vector<16xi32>,
      %get3A_316 = arith.constant 80 : index
      %get3A_317 = tpu.vector_load %arg7[%get3A_316] {strides = array<i32>} : memref<144xi32, #tpu.memory_space<vmem>>, vector<16xi32>,
      %mul3A_318 = arith.constant 128 : i32
      %mul3A_319 = arith.muli %get3A_222, %mul3A_318 : i32
      %add3A_320 = arith.constant 80 : i32
      %add3A_321 = arith.addi %mul3A_319, %add3A_320 : i32
      %swap3A_322 = arith.index_cast %add3A_321 : i32 to index
      %swap3A_323 = tpu.vector_load %arg9[%swap3A_322] {strides = array<i32>} : memref<256xi32, #tpu.memory_space<vmem>>, vector<16xi32>,
      tpu.vector_store %arg9[%swap3A_322], %get3A_317 {strides = array<i32>} : memref<256xi32, #tpu.memory_space<vmem>>, vector<16xi32>,
      %get3A_324 = arith.constant 96 : index
      %get3A_325 = tpu.vector_load %arg6[%get3A_324] {strides = array<i32>} : memref<144xi32, #tpu.memory_space<vmem>>, vector<16xi32>,
      %mul3A_326 = arith.constant 128 : i32
      %mul3A_327 = arith.muli %get3A_222, %mul3A_326 : i32
      %add3A_328 = arith.constant 96 : i32
      %add3A_329 = arith.addi %mul3A_327, %add3A_328 : i32
      %swap3A_330 = arith.index_cast %add3A_329 : i32 to index
      %swap3A_331 = tpu.vector_load %arg8[%swap3A_330] {strides = array<i32>} : memref<256xi32, #tpu.memory_space<vmem>>, vector<16xi32>,
      tpu.vector_store %arg8[%swap3A_330], %get3A_325 {strides = array<i32>} : memref<256xi32, #tpu.memory_space<vmem>>, vector<16xi32>,
      %get3A_332 = arith.constant 96 : index
      %get3A_333 = tpu.vector_load %arg7[%get3A_332] {strides = array<i32>} : memref<144xi32, #tpu.memory_space<vmem>>, vector<16xi32>,
      %mul3A_334 = arith.constant 128 : i32
      %mul3A_335 = arith.muli %get3A_222, %mul3A_334 : i32
      %add3A_336 = arith.constant 96 : i32
      %add3A_337 = arith.addi %mul3A_335, %add3A_336 : i32
      %swap3A_338 = arith.index_cast %add3A_337 : i32 to index
      %swap3A_339 = tpu.vector_load %arg9[%swap3A_338] {strides = array<i32>} : memref<256xi32, #tpu.memory_space<vmem>>, vector<16xi32>,
      tpu.vector_store %arg9[%swap3A_338], %get3A_333 {strides = array<i32>} : memref<256xi32, #tpu.memory_space<vmem>>, vector<16xi32>,
      %get3A_340 = arith.constant 112 : index
      %get3A_341 = tpu.vector_load %arg6[%get3A_340] {strides = array<i32>} : memref<144xi32, #tpu.memory_space<vmem>>, vector<16xi32>,
      %mul3A_342 = arith.constant 128 : i32
      %mul3A_343 = arith.muli %get3A_222, %mul3A_342 : i32
      %add3A_344 = arith.constant 112 : i32
      %add3A_345 = arith.addi %mul3A_343, %add3A_344 : i32
      %swap3A_346 = arith.index_cast %add3A_345 : i32 to index
      %swap3A_347 = tpu.vector_load %arg8[%swap3A_346] {strides = array<i32>} : memref<256xi32, #tpu.memory_space<vmem>>, vector<16xi32>,
      tpu.vector_store %arg8[%swap3A_346], %get3A_341 {strides = array<i32>} : memref<256xi32, #tpu.memory_space<vmem>>, vector<16xi32>,
      %get3A_348 = arith.constant 112 : index
      %get3A_349 = tpu.vector_load %arg7[%get3A_348] {strides = array<i32>} : memref<144xi32, #tpu.memory_space<vmem>>, vector<16xi32>,
      %mul3A_350 = arith.constant 128 : i32
      %mul3A_351 = arith.muli %get3A_222, %mul3A_350 : i32
      %add3A_352 = arith.constant 112 : i32
      %add3A_353 = arith.addi %mul3A_351, %add3A_352 : i32
      %swap3A_354 = arith.index_cast %add3A_353 : i32 to index
      %swap3A_355 = tpu.vector_load %arg9[%swap3A_354] {strides = array<i32>} : memref<256xi32, #tpu.memory_space<vmem>>, vector<16xi32>,
      tpu.vector_store %arg9[%swap3A_354], %get3A_349 {strides = array<i32>} : memref<256xi32, #tpu.memory_space<vmem>>, vector<16xi32>,
      %mul3A_356 = arith.constant 128 : i32
      %mul3A_357 = arith.muli %get3A_222, %mul3A_356 : i32
      "tpu.region"() ({
        %run_scoped3A = tpu.sem_alloc : memref<!tpu.dma_semaphore, #tpu.memory_space<semaphore_mem>>
        %dma_start3A_398 = tpu.memref_slice %arg8[%mul3A_357] : memref<256xi32, #tpu.memory_space<vmem>> -> memref<128xi32, #tpu.memory_space<vmem>>
        %dma_start3A_399 = arith.constant 0 : i32
        %dma_start3A_400 = arith.constant 0 : i32
        %dma_start3A_401 = tpu.memref_slice %arg19[%dma_start3A_399, %dma_start3A_400] : memref<32784x16xf32, #tpu.memory_space<vmem_shared>> -> memref<32784x16xf32, #tpu.memory_space<vmem_shared>>
        tpu.enqueue_indirect_dma source(%arg11 : memref<128x16xf32, #tpu.memory_space<vmem>>) target(%dma_start3A_401 : memref<32784x16xf32, #tpu.memory_space<vmem_shared>>) offsets(%dma_start3A_398 : memref<128xi32, #tpu.memory_space<vmem>>) semaphore(%run_scoped3A : memref<!tpu.dma_semaphore, #tpu.memory_space<semaphore_mem>>) {add = true}
        %dma_wait3A = tpu.memref_slice %arg8[%mul3A_357] : memref<256xi32, #tpu.memory_space<vmem>> -> memref<128xi32, #tpu.memory_space<vmem>>
        %dma_wait3A_402 = arith.constant 0 : i32
        %dma_wait3A_403 = arith.constant 0 : i32
        %dma_wait3A_404 = tpu.memref_slice %arg19[%dma_wait3A_402, %dma_wait3A_403] : memref<32784x16xf32, #tpu.memory_space<vmem_shared>> -> memref<32784x16xf32, #tpu.memory_space<vmem_shared>>
        tpu.wait_indirect_dma semaphore(%run_scoped3A : memref<!tpu.dma_semaphore, #tpu.memory_space<semaphore_mem>>) src(%arg11 : memref<128x16xf32, #tpu.memory_space<vmem>>) dst(%dma_wait3A_404 : memref<32784x16xf32, #tpu.memory_space<vmem_shared>>)
        tpu.yield
      }) : () -> ()
      %mul3A_358 = arith.constant 128 : i32
      %mul3A_359 = arith.muli %get3A_222, %mul3A_358 : i32
      %mul3A_360 = arith.constant 128 : i32
      %mul3A_361 = arith.muli %get3A_222, %mul3A_360 : i32
      %dma_start3A_362 = arith.constant 0 : i32
      %dma_start3A_363 = tpu.memref_slice %arg10[%mul3A_361, %dma_start3A_362] : memref<256x32xf32, #tpu.memory_space<vmem>> -> memref<128x32xf32, #tpu.memory_space<vmem>>
      %dma_start3A_364 = tpu.memref_slice %arg9[%mul3A_359] : memref<256xi32, #tpu.memory_space<vmem>> -> memref<128xi32, #tpu.memory_space<vmem>>
      %dma_start3A_365 = arith.constant 0 : i32
      %dma_start3A_366 = arith.constant 0 : i32
      %dma_start3A_367 = tpu.memref_slice %arg3[%dma_start3A_365, %dma_start3A_366] : memref<1000000x32xf32, #tpu.memory_space<hbm>> -> memref<1000000x32xf32, #tpu.memory_space<hbm>>
      tpu.enqueue_indirect_dma source(%dma_start3A_367 : memref<1000000x32xf32, #tpu.memory_space<hbm>>) target(%dma_start3A_363 : memref<128x32xf32, #tpu.memory_space<vmem>>) offsets(%dma_start3A_364 : memref<128xi32, #tpu.memory_space<vmem>>) semaphore(%arg20 : memref<!tpu.dma_semaphore, #tpu.memory_space<semaphore_mem>>)
      %sub3A = arith.constant 1 : i32
      %sub3A_368 = arith.subi %sub3A, %get3A_222 : i32
      %swap3A_369 = arith.constant 0 : i32
      %swap3A_370 = arith.index_cast %swap3A_369 : i32 to index
      %swap3A_371 = memref.load %arg17[%swap3A_370] : memref<4xi32, #tpu.memory_space<smem>>
      memref.store %sub3A_368, %arg17[%swap3A_370] : memref<4xi32, #tpu.memory_space<smem>>
      %swap3A_372 = arith.constant 1 : i32
      %swap3A_373 = arith.constant 1 : i32
      %swap3A_374 = arith.index_cast %swap3A_373 : i32 to index
      %swap3A_375 = memref.load %arg17[%swap3A_374] : memref<4xi32, #tpu.memory_space<smem>>
      memref.store %swap3A_372, %arg17[%swap3A_374] : memref<4xi32, #tpu.memory_space<smem>>
      %get3A_376 = arith.constant 1 : i32
      %get3A_377 = arith.index_cast %get3A_376 : i32 to index
      %get3A_378 = memref.load %arg17[%get3A_377] : memref<4xi32, #tpu.memory_space<smem>>
      %eq3A_379 = arith.constant 1 : i32
      %eq3A_380 = arith.cmpi eq, %get3A_378, %eq3A_379 : i32
      %convert_element_type3A_381 = arith.extui %eq3A_380 : i1 to i32
      %cond3A_382 = arith.constant 0 : i32
      %cond3A_383 = arith.cmpi ne, %convert_element_type3A_381, %cond3A_382 : i32
      scf.if %cond3A_383 {
        %get3A_398 = arith.constant 0 : i32
        %get3A_399 = arith.index_cast %get3A_398 : i32 to index
        %get3A_400 = memref.load %arg17[%get3A_399] : memref<4xi32, #tpu.memory_space<smem>>
        %sub3A_401 = arith.constant 1 : i32
        %sub3A_402 = arith.subi %sub3A_401, %get3A_400 : i32
        %mul3A_403 = arith.constant 128 : i32
        %mul3A_404 = arith.muli %sub3A_402, %mul3A_403 : i32
        %mul3A_405 = arith.constant 128 : i32
        %mul3A_406 = arith.muli %sub3A_402, %mul3A_405 : i32
        %dma_wait3A = arith.constant 0 : i32
        %dma_wait3A_407 = tpu.memref_slice %arg10[%mul3A_406, %dma_wait3A] : memref<256x32xf32, #tpu.memory_space<vmem>> -> memref<128x32xf32, #tpu.memory_space<vmem>>
        %dma_wait3A_408 = tpu.memref_slice %arg9[%mul3A_404] : memref<256xi32, #tpu.memory_space<vmem>> -> memref<128xi32, #tpu.memory_space<vmem>>
        %dma_wait3A_409 = arith.constant 0 : i32
        %dma_wait3A_410 = arith.constant 0 : i32
        %dma_wait3A_411 = tpu.memref_slice %arg3[%dma_wait3A_409, %dma_wait3A_410] : memref<1000000x32xf32, #tpu.memory_space<hbm>> -> memref<1000000x32xf32, #tpu.memory_space<hbm>>
        tpu.wait_indirect_dma semaphore(%arg20 : memref<!tpu.dma_semaphore, #tpu.memory_space<semaphore_mem>>) src(%dma_wait3A_411 : memref<1000000x32xf32, #tpu.memory_space<hbm>>) dst(%dma_wait3A_407 : memref<128x32xf32, #tpu.memory_space<vmem>>)
        %mul3A_412 = arith.constant 128 : i32
        %mul3A_413 = arith.muli %sub3A_402, %mul3A_412 : i32
        %mul3A_414 = arith.constant 128 : i32
        %mul3A_415 = arith.muli %sub3A_402, %mul3A_414 : i32
        "tpu.region"() ({
          %run_scoped3A = tpu.sem_alloc : memref<!tpu.dma_semaphore, #tpu.memory_space<semaphore_mem>>
          %dma_start3A_416 = arith.constant 0 : i32
          %dma_start3A_417 = tpu.memref_slice %arg10[%mul3A_413, %dma_start3A_416] : memref<256x32xf32, #tpu.memory_space<vmem>> -> memref<128x32xf32, #tpu.memory_space<vmem>>
          %dma_start3A_418 = tpu.memref_slice %arg8[%mul3A_415] : memref<256xi32, #tpu.memory_space<vmem>> -> memref<128xi32, #tpu.memory_space<vmem>>
          %dma_start3A_419 = arith.constant 0 : i32
          %dma_start3A_420 = arith.constant 0 : i32
          %dma_start3A_421 = tpu.memref_slice %arg18[%dma_start3A_419, %dma_start3A_420] : memref<32784x32xf32, #tpu.memory_space<vmem_shared>> -> memref<32784x32xf32, #tpu.memory_space<vmem_shared>>
          tpu.enqueue_indirect_dma source(%dma_start3A_417 : memref<128x32xf32, #tpu.memory_space<vmem>>) target(%dma_start3A_421 : memref<32784x32xf32, #tpu.memory_space<vmem_shared>>) offsets(%dma_start3A_418 : memref<128xi32, #tpu.memory_space<vmem>>) semaphore(%run_scoped3A : memref<!tpu.dma_semaphore, #tpu.memory_space<semaphore_mem>>) {add = true}
          %dma_wait3A_422 = arith.constant 0 : i32
          %dma_wait3A_423 = tpu.memref_slice %arg10[%mul3A_413, %dma_wait3A_422] : memref<256x32xf32, #tpu.memory_space<vmem>> -> memref<128x32xf32, #tpu.memory_space<vmem>>
          %dma_wait3A_424 = tpu.memref_slice %arg8[%mul3A_415] : memref<256xi32, #tpu.memory_space<vmem>> -> memref<128xi32, #tpu.memory_space<vmem>>
          %dma_wait3A_425 = arith.constant 0 : i32
          %dma_wait3A_426 = arith.constant 0 : i32
          %dma_wait3A_427 = tpu.memref_slice %arg18[%dma_wait3A_425, %dma_wait3A_426] : memref<32784x32xf32, #tpu.memory_space<vmem_shared>> -> memref<32784x32xf32, #tpu.memory_space<vmem_shared>>
          tpu.wait_indirect_dma semaphore(%run_scoped3A : memref<!tpu.dma_semaphore, #tpu.memory_space<semaphore_mem>>) src(%dma_wait3A_423 : memref<128x32xf32, #tpu.memory_space<vmem>>) dst(%dma_wait3A_427 : memref<32784x32xf32, #tpu.memory_space<vmem_shared>>)
          tpu.yield
        }) : () -> ()
      } else {
      }
      %swap3A_384 = arith.constant 0 : i32
      %swap3A_385 = arith.constant 1 : i32
      %swap3A_386 = arith.index_cast %swap3A_385 : i32 to index
      %swap3A_387 = memref.load %arg17[%swap3A_386] : memref<4xi32, #tpu.memory_space<smem>>
      memref.store %swap3A_384, %arg17[%swap3A_386] : memref<4xi32, #tpu.memory_space<smem>>
      %barrier3A_388 = arith.constant 0 : index
      tpu.barrier barrier_id(%barrier3A_388)
      %scan3A_389 = arith.constant 0 : i32
      %scan3A_390 = arith.constant 0 : i32
      %scan3A_391 = arith.constant 16 : i32
      %scan3A_392 = arith.addi %scan3A_390, %scan3A_391 : i32
      %scan3A_393 = arith.constant 1 : i32
      %scan3A_394 = scf.for %scan3A_398 = %scan3A_390 to %scan3A_392 step %scan3A_393 iter_args(%scan3A_399 = %scan3A_389) -> (i32)  : i32 {
        %mul3A_400 = arith.constant 2048 : i32
        %mul3A_401 = arith.muli %arg1, %mul3A_400 : i32
        %mul3A_402 = arith.constant 128 : i32
        %mul3A_403 = arith.muli %scan3A_398, %mul3A_402 : i32
        %add3A_404 = arith.addi %mul3A_401, %mul3A_403 : i32
        "tpu.region"() ({
          %run_scoped3A = tpu.sem_alloc : memref<!tpu.dma_semaphore, #tpu.memory_space<semaphore_mem>>
          %dma_start3A_421 = arith.constant 0 : i32
          %dma_start3A_422 = tpu.memref_slice %arg18[%add3A_404, %dma_start3A_421] : memref<32784x32xf32, #tpu.memory_space<vmem_shared>> -> memref<128x32xf32, #tpu.memory_space<vmem_shared>>
          %dma_start3A_423 = arith.constant 0 : i32
          %dma_start3A_424 = tpu.memref_slice %arg18[%add3A_404, %dma_start3A_423] : memref<32784x32xf32, #tpu.memory_space<vmem_shared>> -> memref<128x32xf32, #tpu.memory_space<vmem_shared>>
          tpu.enqueue_dma source(%dma_start3A_424 : memref<128x32xf32, #tpu.memory_space<vmem_shared>>) target(%arg14 : memref<128x32xf32, #tpu.memory_space<vmem>>) target_semaphore(%run_scoped3A : memref<!tpu.dma_semaphore, #tpu.memory_space<semaphore_mem>>)
          %dma_wait3A = arith.constant 0 : i32
          %dma_wait3A_425 = tpu.memref_slice %arg18[%add3A_404, %dma_wait3A] : memref<32784x32xf32, #tpu.memory_space<vmem_shared>> -> memref<128x32xf32, #tpu.memory_space<vmem_shared>>
          %dma_wait3A_426 = arith.constant 0 : i32
          %dma_wait3A_427 = tpu.memref_slice %arg18[%add3A_404, %dma_wait3A_426] : memref<32784x32xf32, #tpu.memory_space<vmem_shared>> -> memref<128x32xf32, #tpu.memory_space<vmem_shared>>
          tpu.wait_dma2 semaphore(%run_scoped3A : memref<!tpu.dma_semaphore, #tpu.memory_space<semaphore_mem>>) src(%dma_wait3A_427 : memref<128x32xf32, #tpu.memory_space<vmem_shared>>) dst(%arg14 : memref<128x32xf32, #tpu.memory_space<vmem>>)
          tpu.yield
        }) : () -> ()
        "tpu.region"() ({
          %run_scoped3A = tpu.sem_alloc : memref<!tpu.dma_semaphore, #tpu.memory_space<semaphore_mem>>
          %dma_start3A_421 = arith.constant 0 : i32
          %dma_start3A_422 = tpu.memref_slice %arg19[%add3A_404, %dma_start3A_421] : memref<32784x16xf32, #tpu.memory_space<vmem_shared>> -> memref<128x16xf32, #tpu.memory_space<vmem_shared>>
          %dma_start3A_423 = arith.constant 0 : i32
          %dma_start3A_424 = tpu.memref_slice %arg19[%add3A_404, %dma_start3A_423] : memref<32784x16xf32, #tpu.memory_space<vmem_shared>> -> memref<128x16xf32, #tpu.memory_space<vmem_shared>>
          tpu.enqueue_dma source(%dma_start3A_424 : memref<128x16xf32, #tpu.memory_space<vmem_shared>>) target(%arg15 : memref<128x16xf32, #tpu.memory_space<vmem>>) target_semaphore(%run_scoped3A : memref<!tpu.dma_semaphore, #tpu.memory_space<semaphore_mem>>)
          %dma_wait3A = arith.constant 0 : i32
          %dma_wait3A_425 = tpu.memref_slice %arg19[%add3A_404, %dma_wait3A] : memref<32784x16xf32, #tpu.memory_space<vmem_shared>> -> memref<128x16xf32, #tpu.memory_space<vmem_shared>>
          %dma_wait3A_426 = arith.constant 0 : i32
          %dma_wait3A_427 = tpu.memref_slice %arg19[%add3A_404, %dma_wait3A_426] : memref<32784x16xf32, #tpu.memory_space<vmem_shared>> -> memref<128x16xf32, #tpu.memory_space<vmem_shared>>
          tpu.wait_dma2 semaphore(%run_scoped3A : memref<!tpu.dma_semaphore, #tpu.memory_space<semaphore_mem>>) src(%dma_wait3A_427 : memref<128x16xf32, #tpu.memory_space<vmem_shared>>) dst(%arg15 : memref<128x16xf32, #tpu.memory_space<vmem>>)
          tpu.yield
        }) : () -> ()
        %scan3A_405 = arith.constant 0 : i32
        %scan3A_406 = arith.constant 0 : i32
        %scan3A_407 = arith.constant 8 : i32
        %scan3A_408 = arith.addi %scan3A_406, %scan3A_407 : i32
        %scan3A_409 = arith.constant 1 : i32
        %scan3A_410 = scf.for %scan3A_421 = %scan3A_406 to %scan3A_408 step %scan3A_409 iter_args(%scan3A_422 = %scan3A_405) -> (i32)  : i32 {
          %mul3A_423 = arith.constant 16 : i32
          %mul3A_424 = arith.muli %scan3A_421, %mul3A_423 : i32
          %add3A_425 = vector.broadcast %mul3A_424 : i32 to vector<16xi32>
          %add3A_426 = arith.addi %add3A_425, %iota3A : vector<16xi32>
          %mul3A_427 = arith.constant 0 : i32
          %mul3A_428 = vector.broadcast %mul3A_427 : i32 to vector<16xi32>
          %mul3A_429 = arith.muli %iota3A, %mul3A_428 : vector<16xi32>
          %gather3A = tpu.vector_load_idx %arg15[%add3A_426, %mul3A_429] : memref<128x16xf32, #tpu.memory_space<vmem>>[vector<16xi32>, vector<16xi32>], vector<16xf32>,
          %max3A = arith.constant 1.000000e+00 : f32
          %max3A_430 = vector.broadcast %max3A : f32 to vector<16xf32>
          %max3A_431 = arith.maximumf %gather3A, %max3A_430 : vector<16xf32>
          %div3A = arith.constant 1.000000e+00 : f32
          %div3A_432 = vector.broadcast %div3A : f32 to vector<16xf32>
          %div3A_433 = arith.divf %div3A_432, %max3A_431 : vector<16xf32>
          %mul3A_434 = arith.constant 16 : i32
          %mul3A_435 = arith.muli %scan3A_421, %mul3A_434 : i32
          %swap3A_436 = arith.index_cast %mul3A_435 : i32 to index
          %swap3A_437 = tpu.vector_load %arg16[%swap3A_436] {strides = array<i32>} : memref<128xf32, #tpu.memory_space<vmem>>, vector<16xf32>,
          tpu.vector_store %arg16[%swap3A_436], %div3A_433 {strides = array<i32>} : memref<128xf32, #tpu.memory_space<vmem>>, vector<16xf32>,
          %scan3A_438 = arith.constant 0 : i32
          scf.yield %scan3A_438 : i32
        }
        %scan3A_411 = arith.constant 8 : i32
        %scan3A_412 = arith.constant 0 : i32
        %scan3A_413 = arith.constant 0 : i32
        %scan3A_414 = arith.constant 128 : i32
        %scan3A_415 = arith.addi %scan3A_413, %scan3A_414 : i32
        %scan3A_416 = arith.constant 1 : i32
        %scan3A_417 = scf.for %scan3A_421 = %scan3A_413 to %scan3A_415 step %scan3A_416 iter_args(%scan3A_422 = %scan3A_412) -> (i32)  : i32 {
          %mul3A_423 = arith.constant 0 : i32
          %mul3A_424 = vector.broadcast %mul3A_423 : i32 to vector<16xi32>
          %mul3A_425 = arith.muli %iota3A, %mul3A_424 : vector<16xi32>
          %add3A_426 = vector.broadcast %scan3A_421 : i32 to vector<16xi32>
          %add3A_427 = arith.addi %mul3A_425, %add3A_426 : vector<16xi32>
          %gather3A = tpu.vector_load_idx %arg16[%add3A_427] : memref<128xf32, #tpu.memory_space<vmem>>[vector<16xi32>], vector<16xf32>,
          %get3A_428 = arith.index_cast %scan3A_421 : i32 to index
          %get3A_429 = arith.constant 0 : index
          %get3A_430 = tpu.vector_load %arg14[%get3A_428, %get3A_429] {strides = array<i32>} : memref<128x32xf32, #tpu.memory_space<vmem>>, vector<16xf32>,
          %mul3A_431 = arith.mulf %get3A_430, %gather3A : vector<16xf32>
          %swap3A_432 = arith.index_cast %scan3A_421 : i32 to index
          %swap3A_433 = arith.constant 0 : index
          %swap3A_434 = tpu.vector_load %arg14[%swap3A_432, %swap3A_433] {strides = array<i32>} : memref<128x32xf32, #tpu.memory_space<vmem>>, vector<16xf32>,
          tpu.vector_store %arg14[%swap3A_432, %swap3A_433], %mul3A_431 {strides = array<i32>} : memref<128x32xf32, #tpu.memory_space<vmem>>, vector<16xf32>,
          %get3A_435 = arith.index_cast %scan3A_421 : i32 to index
          %get3A_436 = arith.constant 16 : index
          %get3A_437 = tpu.vector_load %arg14[%get3A_435, %get3A_436] {strides = array<i32>} : memref<128x32xf32, #tpu.memory_space<vmem>>, vector<16xf32>,
          %mul3A_438 = arith.mulf %get3A_437, %gather3A : vector<16xf32>
          %swap3A_439 = arith.index_cast %scan3A_421 : i32 to index
          %swap3A_440 = arith.constant 16 : index
          %swap3A_441 = tpu.vector_load %arg14[%swap3A_439, %swap3A_440] {strides = array<i32>} : memref<128x32xf32, #tpu.memory_space<vmem>>, vector<16xf32>,
          tpu.vector_store %arg14[%swap3A_439, %swap3A_440], %mul3A_438 {strides = array<i32>} : memref<128x32xf32, #tpu.memory_space<vmem>>, vector<16xf32>,
          %scan3A_442 = arith.constant 0 : i32
          scf.yield %scan3A_442 : i32
        }
        %scan3A_418 = arith.constant 128 : i32
        %add3A_419 = arith.addi %mul3A_29, %add3A_404 : i32
        "tpu.region"() ({
          %run_scoped3A = tpu.sem_alloc : memref<!tpu.dma_semaphore, #tpu.memory_space<semaphore_mem>>
          %dma_start3A_421 = arith.constant 0 : i32
          %dma_start3A_422 = tpu.memref_slice %arg4[%add3A_419, %dma_start3A_421] : memref<262144x32xf32, #tpu.memory_space<hbm>> -> memref<128x32xf32, #tpu.memory_space<hbm>>
          %dma_start3A_423 = arith.constant 0 : i32
          %dma_start3A_424 = tpu.memref_slice %arg4[%add3A_419, %dma_start3A_423] : memref<262144x32xf32, #tpu.memory_space<hbm>> -> memref<128x32xf32, #tpu.memory_space<hbm>>
          tpu.enqueue_dma source(%arg14 : memref<128x32xf32, #tpu.memory_space<vmem>>) target(%dma_start3A_424 : memref<128x32xf32, #tpu.memory_space<hbm>>) target_semaphore(%run_scoped3A : memref<!tpu.dma_semaphore, #tpu.memory_space<semaphore_mem>>)
          %dma_wait3A = arith.constant 0 : i32
          %dma_wait3A_425 = tpu.memref_slice %arg4[%add3A_419, %dma_wait3A] : memref<262144x32xf32, #tpu.memory_space<hbm>> -> memref<128x32xf32, #tpu.memory_space<hbm>>
          %dma_wait3A_426 = arith.constant 0 : i32
          %dma_wait3A_427 = tpu.memref_slice %arg4[%add3A_419, %dma_wait3A_426] : memref<262144x32xf32, #tpu.memory_space<hbm>> -> memref<128x32xf32, #tpu.memory_space<hbm>>
          tpu.wait_dma2 semaphore(%run_scoped3A : memref<!tpu.dma_semaphore, #tpu.memory_space<semaphore_mem>>) src(%arg14 : memref<128x32xf32, #tpu.memory_space<vmem>>) dst(%dma_wait3A_427 : memref<128x32xf32, #tpu.memory_space<hbm>>)
          tpu.yield
        }) : () -> ()
        %scan3A_420 = arith.constant 0 : i32
        scf.yield %scan3A_420 : i32
      }
      %scan3A_395 = arith.constant 16 : i32
      %barrier3A_396 = arith.constant 0 : index
      tpu.barrier barrier_id(%barrier3A_396)
      %scan3A_397 = arith.constant 0 : i32
      scf.yield %scan3A_397 : i32
    }
    %scan3A_23 = arith.constant 4 : i32
    return
  }
}

</mosaic_0001>

<sc_bundles>
// kernel: _togrid.3.cloned.1.call-start
scs
__scs_entry_jumppad:
0x0: {  	(pc) =	sbr.rel $0x88, $3  }
0x1: {  	(tag) =	ssettag $0x0;
	lr =	simm.s32 $0x1  }
0x2: {  	[smem:$0x3F9F] =	sst lr;
	_ =	strace $0xD0000000  }
0x3: {  	_ = 	snop  }
0x4: {  	_ = 	snop  }
0x5: {  	_ = 	snop  }
0x6: {  	_ = 	snop  }
0x7: {  	_ = 	snop  }
__scs_overlays_trampoline_lowered:
0x8: {  	[smem:$0x3FAE] =	sst s0  }
0x9: {  	[smem:$0x3FAF] =	sst s1  }
0xa: {  	[smem:$0x3FB0] =	sst s2  }
0xb: {  	[smem:$0x3FB1] =	sst s3  }
0xc: {  	[smem:$0x3FB2] =	sst s4  }
0xd: {  	[smem:$0x3FB3] =	sst s5  }
0xe: {  	[smem:$0x3FB4] =	sst s6  }
0xf: {  	[smem:$0x3FB5] =	sst s7  }
0x10: {  	[smem:$0x3FB6] =	sst s8  }
0x11: {  	[smem:$0x3FB7] =	sst s9;
	s0 =	simm.s32 @!p0 $0x0  }
0x12: {  	s1 =	sld [smem:$0x3F9D];
	s0 =	simm.s32 @p0 $0x1  }
0x13: {  	[smem:$0x3FB8] =	sst s0;
	s0 =	simm.s32 @!p1 $0x0  }
0x14: {  	s2 =	sld [smem:$0x3F9C];
	s0 =	simm.s32 @p1 $0x1  }
0x15: {  	[smem:$0x3FB9] =	sst s0;
	s0 =	simm.s32 @!p2 $0x0  }
0x16: {  	s3 =	sld [smem:$0x3FDB];
	s0 =	simm.s32 @p2 $0x1  }
0x17: {  	s4 =	simm.s32 $0x1BF5;
	[smem:$0x3FBB] =	sst s0  }
0x18: {  	s0 =	sld [smem:$0x3F9E];
	_ =	swait.ge [sflag:s4], $0x0  }
0x19: {  	s7 =	sld [smem:$0x3F9F]  }
0x1a: {  	s8 =	sadd.s32 $0xFFFFE003, lr  }
0x1b: {  	s9 =	sadd.s32 $0xFFFFFEF7, lr;
	s5 =	simm.s32 $0xFFFFFFFF;
	p2 =	slt.u32 s8, $0xFFFFF086  }
0x1c: {  	p1 =	slt.u32 s9, $0xF7A;
	s5 =	simm.s32 @!p2 $0x0  }
0x1d: {  	s5 =	simm.s32 @p1 $0x1;
	p0 =	seq.s32 s7, s2  }
0x1e: {  	s7 =	smul.u32 @!p0 $0xF7A, s2;
	p2 =	seq.s32 @!p0 s5, $0x0  }
0x1f: {  	s9 =	smul.u32 $0xF7A, s1;
	s8 =	simm.s32 @!p0 $0x1BF5;
	p2 =	por !p2, p0  }
0x20: {  	[sflag:s8] =	ssyncset.s32 @!p0 $0xFFFFF086;
	s6 =	sadd.s32 @!p0 s3, s7;
	s7 =	simm.s32 @!p0 $0x108  }
0x21: {  	s3 =	sadd.s32 s3, s9;
	s6 =	sadd.s32 @!p0 $0x88, s6;
	s7 =	simm.s32 @p2 $0x1082  }
0x22: {  	[simem:s7], [sflag:s8] =	dma.local @!p0 [hbm:s6], $0xF7A  }
0x23: {  	s9 =	sor.u32 $0xD0000000, s2;
	s6 =	simm.s32 $0x108;
	_ =	swait.ge @!p0 [sflag:s8], $0x0  }
0x24: {  	s3 =	sadd.s32 $0x88, s3;
	s6 =	simm.s32 @!p1 $0x1082;
	[sflag:s4] =	ssyncset.s32 $0xFFFFF086  }
0x25: {  	[simem:s6], [sflag:s4] =	dma.local [hbm:s3], $0xF7A  }
0x26: {  	[smem:$0x3F9F] =	sst s1;
	(tag) =	ssettag s2;
	_ =	strace s9  }
0x27: {  	s1 =	sld [smem:$0x3FAF]  }
0x28: {  	s2 =	sld [smem:$0x3FB0]  }
0x29: {  	s4 =	sld [smem:$0x3FB2]  }
0x2a: {  	p0 =	seq.s32 s5, $0x0;
	s5 =	sld [smem:$0x3FB3]  }
0x2b: {  	s6 =	sld [smem:$0x3FB4]  }
0x2c: {  	s7 =	sld [smem:$0x3FB5]  }
0x2d: {  	s3 =	simm.s32 $0x108;
	s8 =	sld [smem:$0x3FB6]  }
0x2e: {  	s3 =	simm.s32 @!p0 $0x1082;
	s9 =	sld [smem:$0x3FB7]  }
0x2f: {  	lr =	sadd.s32 s0, s3;
	s0 =	sld [smem:$0x3FAE]  }
0x30: {  	s3 =	sld [smem:$0x3FB1]  }
0x31: {  	[smem:$0x3FBA] =	sst s10  }
0x32: {  	s10 =	sld [smem:$0x3FB8];
	_ =	sdelay $0x3  }
0x33: {  	p0 =	seq.s32 s10, $0x1;
	s10 =	sld [smem:$0x3FBA];
	_ =	sdelay $0x3  }
0x34: {  	[smem:$0x3FBA] =	sst s10  }
0x35: {  	s10 =	sld [smem:$0x3FB9];
	_ =	sdelay $0x3  }
0x36: {  	p1 =	seq.s32 s10, $0x1;
	s10 =	sld [smem:$0x3FBA];
	_ =	sdelay $0x3  }
0x37: {  	[smem:$0x3FBA] =	sst s10  }
0x38: {  	s10 =	sld [smem:$0x3FBB]  }
0x39: {  	_ = 	snop;
	(pc) =	sbr.ind lr, $3  }
0x3a: {  	_ = 	snop  }
0x3b: {  	_ = 	snop  }
0x3c: {  	p2 =	seq.s32 s10, $0x1;
	s10 =	sld [smem:$0x3FBA]  }
0x3d: {  	_ =	shalt  }
0x3e: {  	_ =	shalt  }
0x3f: {  	_ =	shalt  }
0x40: {  	_ =	shalt  }
0x41: {  	_ =	shalt  }
0x42: {  	_ =	shalt  }
0x43: {  	_ =	shalt  }
0x44: {  	_ =	shalt  }
0x45: {  	_ =	shalt  }
0x46: {  	_ =	shalt  }
0x47: {  	_ =	shalt  }
0x48: {  	_ =	shalt  }
0x49: {  	_ =	shalt  }
0x4a: {  	_ =	shalt  }
0x4b: {  	_ =	shalt  }
0x4c: {  	_ =	shalt  }
0x4d: {  	_ =	shalt  }
0x4e: {  	_ =	shalt  }
0x4f: {  	_ =	shalt  }
0x50: {  	_ =	shalt  }
0x51: {  	_ =	shalt  }
0x52: {  	_ =	shalt  }
0x53: {  	_ =	shalt  }
0x54: {  	_ =	shalt  }
0x55: {  	_ =	shalt  }
0x56: {  	_ =	shalt  }
0x57: {  	_ =	shalt  }
0x58: {  	_ =	shalt  }
0x59: {  	_ =	shalt  }
0x5a: {  	_ =	shalt  }
0x5b: {  	_ =	shalt  }
0x5c: {  	_ =	shalt  }
0x5d: {  	_ =	shalt  }
0x5e: {  	_ =	shalt  }
0x5f: {  	_ =	shalt  }
0x60: {  	_ =	shalt  }
0x61: {  	_ =	shalt  }
0x62: {  	_ =	shalt  }
0x63: {  	_ =	shalt  }
0x64: {  	_ =	shalt  }
0x65: {  	_ =	shalt  }
0x66: {  	_ =	shalt  }
0x67: {  	_ =	shalt  }
0x68: {  	_ =	shalt  }
0x69: {  	_ =	shalt  }
0x6a: {  	_ =	shalt  }
0x6b: {  	_ =	shalt  }
0x6c: {  	_ =	shalt  }
0x6d: {  	_ =	shalt  }
0x6e: {  	_ =	shalt  }
0x6f: {  	_ =	shalt  }
0x70: {  	_ =	shalt  }
0x71: {  	_ =	shalt  }
0x72: {  	_ =	shalt  }
0x73: {  	_ =	shalt  }
0x74: {  	_ =	shalt  }
0x75: {  	_ =	shalt  }
0x76: {  	_ =	shalt  }
0x77: {  	_ =	shalt  }
0x78: {  	_ =	shalt  }
0x79: {  	_ =	shalt  }
0x7a: {  	_ =	shalt  }
0x7b: {  	_ =	shalt  }
0x7c: {  	_ =	shalt  }
0x7d: {  	_ =	shalt  }
0x7e: {  	_ =	shalt  }
0x7f: {  	_ =	shalt  }
0x80: {  	_ =	shalt  }
0x81: {  	_ =	shalt  }
0x82: {  	_ =	shalt  }
0x83: {  	_ =	shalt  }
0x84: {  	_ =	shalt  }
0x85: {  	_ =	shalt  }
0x86: {  	_ =	shalt  }
0x87: {  	_ =	shalt  }
.Lfunc_end0:
.L_simem_size_0:
called_computation.1_lowered:
.L_overlay_start_0:
0x88: {  	s2 =	sld [smem:$0x3FD9]  }
0x89: {  	s3 =	sld [smem:$0x3FFE];
	_ =	sdelay $0x1  }
0x8a: {  	s1 =	srdreg.scid  }
0x8b: {  	s0 =	sand.u32 $0x1, s1  }
0x8c: {  	s17 =	sshll.u32 s0, $0xA;
	s2 =	sadd.s32 s3, s2  }
0x8d: {  	s2 =	sadd.s32 s2, s17  }
0x8e: {  	[smem:$0x3FC6] =	sst s2  }
0x8f: {  	_ = 	snop  }
0x90: {  	s2 =	sld [smem:$0x3FC9]  }
0x91: {  	s18 =	sld [smem:$0x3FD0];
	(tm) =	ssettm $0x1  }
0x92: {  	s4 =	sld [smem:$0x3FFB];
	_ =	sdelay $0x3  }
0x93: {  	_ =	strace s4  }
0x94: {  	s4 =	sld [smem:$0x3FFC];
	_ =	sdelay $0x3  }
0x95: {  	_ =	strace s4  }
0x96: {  	s4 =	sld [smem:$0x3FFD];
	_ =	sdelay $0x3  }
0x97: {  	_ =	strace s4  }
0x98: {  	_ =	strace $0x8FFFFFFF  }
0x99: {  	s19 =	sld [smem:$0x3FDB];
	_ =	sdelay $0x1  }
0x9a: {  	s5 =	simm.s32 $_scs_section_size  }
0x9b: {  	s6 =	simm.s32 $_size__tile_overlayer_lowered;
	s7 =	simm.s32 $_tile_overlayer_lowered  }
0x9c: {  	s22 =	simm.s32 $0x1BFF;
	s21 =	sshll.u32 s7, $0x1;
	s4 =	sadd.s32 s5, s19  }
0x9d: {  	s8 =	simm.s32 $0x0;
	s20 =	sshll.u32 s6, $0x1;
	s6 =	sadd.s32 s21, s4  }
0x9e: {  	[timem:s8], [sflag:s22] =	dma.local [hbm:s6], s20  }
0x9f: {  	_ =	swait.ge [sflag:s22], s20  }
0xa0: {  	s5 =	ssub.s32 $0x0, s20;
	[sflag:s22] =	ssyncset.done $0x0  }
0xa1: {  	[sflag:s22] =	ssyncadd.s32 s5;
	_ =	sdelay $0x1  }
0xa2: {  	s23 =	simm.s32 $0x1B8B  }
0xa3: {  	_ =	swait.ge [sflag:s23], $0x1  }
0xa4: {  	[sflag:s23] =	ssyncset.done $0x0  }
0xa5: {  	s25 =	simm.s32 $0x1B8E;
	s24 =	sld [smem:$0x3FFE];
	[sflag:s23] =	ssyncadd.s32 $0xFFFFFFFF  }
0xa6: {  	s26 =	simm.s32 $execute0_lowered;
	[smem:$0x3FD2] =	sst s25  }
0xa7: {  	s6 =	sshll.u32 s26, $0x1;
	_ =	strace $0x80000046;
	[dreg:$0x1] =	wrdreg $0xFFFFFFFF  }
0xa8: {  	s28 =	simm.s32 $_size_execute0_lowered;
	s4 =	sadd.s32 s4, s6;
	[dreg:$0x0] =	wrdreg $0x0  }
0xa9: {  	s6 =	sshll.u32 s28, $0x1;
	[dreg:$0x2] =	wrdreg s4  }
0xaa: {  	[dreg:$0x3] =	wrdreg s6  }
0xab: {  	[dreg:$0x4] =	wrdreg $0xC0  }
0xac: {  	_ =	task [dreg:s8], $0x5FFFF  }
0xad: {  	[dreg:$0x1] =	wrdreg $0xFFFFFFFF  }
0xae: {  	[dreg:$0x0] =	wrdreg $0x60  }
0xaf: {  	[dreg:$0x2] =	wrdreg s2  }
0xb0: {  	[dreg:$0x3] =	wrdreg s24  }
0xb1: {  	[dreg:$0x4] =	wrdreg s18  }
0xb2: {  	[dreg:$0x5] =	wrdreg $0x73A00  }
0xb3: {  	[dreg:$0x6] =	wrdreg $0x173C00  }
0xb4: {  	[dreg:$0x7] =	wrdreg $0x9  }
0xb5: {  	_ =	task.clear_ibuf [dreg:s8], $0x8FFFF;
	_ =	strace $0x90000046  }
0xb6: {  	s29 =	simm.s32 $0x9;
	_ =	strace $0x80000048  }
0xb7: {  	_ =	swait.ge [sflag:s29], $0x1  }
0xb8: {  	[sflag:s29] =	ssyncadd.s32 $0xFFFFFFFF  }
0xb9: {  	_ =	strace $0x90000048  }
0xba: {  	_ =	sfence  }
0xbb: {  	s30 =	sld [smem:$0x0];
	_ =	sdelay $0x2  }
0xbc: {  	s31 =	sshll.u32 s1, $0xD;
	s1 =	sshrl.u32 s1, $0x2  }
0xbd: {  	s3 =	sand.u32 $0x4000, s31;
	s1 =	sadd.s32 s1, s30  }
0xbe: {  	s0 =	sor.u32 s3, s0;
	s1 =	sshll.u32 s1, $0x11  }
0xbf: {  	s0 =	sor.u32 s1, s0  }
0xc0: {  	s0 =	sadd.s32 $0x8F2B, s0  }
0xc1: {  	[sflag:s0] =	ssyncadd.remote.s32 $0x1  }
0xc2: {  	_ =	sfence.sel $0xFFFF  }
0xc3: {  	[dreg:$0x0] =	wrdreg $0xFFFFFFFF;
	(pc) =	sbr.abs _section_cstart, $3  }
0xc4: {  	[dreg:$0x1] =	wrdreg $0xFFFFFFFF  }
0xc5: {  	_ =	task.clear_ibuf [dreg:s8], $0x2FFFF;
	_ =	strace $0x9FFFFFFF  }
0xc6: {  	(tm) =	ssettm $0x7FFFFFFF  }
0xc7: {  	_ =	shalt  }
tec
execute0_lowered:
.L_overlay_start_1:
0x0: {  	(tag) =	ssettag $0x1  }
0x1: {  	s1 =	rddreg [dreg:$0x0]  }
0x2: {  	s0 =	rddreg [dreg:$0x1]  }
0x3: {  	s2 =	rddreg [dreg:$0x2]  }
0x4: {  	s3 =	rddreg [dreg:$0x3]  }
0x5: {  	s4 =	rddreg [dreg:$0x4]  }
0x6: {  	s5 =	simm.s32 $0x0;
	s6 =	srdreg.scid;
	s9 =	stileid.u32  }
0x7: {  	[smem:$0x7FF] =	sst s5;
	s6 =	sand.u32 $0x1, s6;
	s26 =	sshll.u32 s9, $0x10  }
0x8: {  	_ =	strace $0x80000047;
	[dreg:$0x6] =	wrdreg s6;
	s10 =	sadd.s32 s26, s3  }
0x9: {  	s31 =	smul.u32 $0xF800, s9;
	s29 =	sadd.s32 $0x1000, s10;
	[dreg:$0x7] =	wrdreg s10  }
0xa: {  	s7 =	sshll.u32 s9, $0xF;
	s30 =	sadd.s32 $0x2000, s10;
	[dreg:$0xa] =	wrdreg s29  }
0xb: {  	s13 =	sshll.u32 s9, $0xB;
	s9 =	sadd.s32 $0x4000, s10;
	[dreg:$0xb] =	wrdreg s30  }
0xc: {  	s11 =	sadd.s32 $0x5000, s10;
	[dreg:$0xd] =	wrdreg s9  }
0xd: {  	s12 =	sadd.s32 $0x6000, s10;
	[dreg:$0xe] =	wrdreg s11  }
0xe: {  	s14 =	sadd.s32 $0x7000, s10;
	[dreg:$0xf] =	wrdreg s12  }
0xf: {  	s15 =	sadd.s32 $0x8000, s10;
	[dreg:$0x10] =	wrdreg s14  }
0x10: {  	s16 =	sadd.s32 $0x9000, s10;
	[dreg:$0x11] =	wrdreg s15  }
0x11: {  	s17 =	sadd.s32 $0xA000, s10;
	[dreg:$0x12] =	wrdreg s16  }
0x12: {  	s18 =	sadd.s32 $0xB000, s10;
	[dreg:$0x13] =	wrdreg s17  }
0x13: {  	s19 =	sadd.s32 $0xC000, s10;
	[dreg:$0x14] =	wrdreg s18  }
0x14: {  	s8 =	sadd.s32 $0xF42C00, s0;
	s20 =	sadd.s32 $0xD000, s10;
	[dreg:$0x15] =	wrdreg s19  }
0x15: {  	s6 =	ssub.s32 $0x2, s6;
	s21 =	sadd.s32 $0xE000, s10;
	[dreg:$0x16] =	wrdreg s20  }
0x16: {  	s7 =	sadd.s32 s7, s4;
	s22 =	sadd.s32 $0xF000, s10;
	[dreg:$0x17] =	wrdreg s21  }
0x17: {  	s25 =	sshrl.u32 s6, $0x1;
	s23 =	sadd.s32 $0x1000, s7;
	[dreg:$0x18] =	wrdreg s22  }
0x18: {  	s28 =	sshrl.u32 s31, $0x3;
	s24 =	sadd.s32 $0x2000, s7;
	[dreg:$0x19] =	wrdreg s23  }
0x19: {  	s26 =	sadd.s32 $0x4000, s7;
	s0 =	ssub.s32 s6, s25;
	[dreg:$0x1a] =	wrdreg s24  }
0x1a: {  	s6 =	sadd.s32 s1, s28;
	s25 =	sadd.s32 $0x3000, s7;
	[dreg:$0x1c] =	wrdreg s26  }
0x1b: {  	s28 =	sadd.s32 $0x5000, s7;
	s29 =	sadd.s32 $0x6000, s7;
	s11 =	smov.u32 s7  }
0x1c: {  	s30 =	sadd.s32 $0x7000, s7;
	s15 =	simm.s32 $0x3B20;
	[dreg:$0x8] =	wrdreg s6  }
0x1d: {  	s16 =	simm.s32 $0x3;
	s17 =	simm.s32 $0x4B20;
	[dreg:$0x1b] =	wrdreg s25  }
0x1e: {  	s18 =	simm.s32 $0x1;
	s19 =	simm.s32 $0x80;
	[dreg:$0x1d] =	wrdreg s28  }
0x1f: {  	v0 =	vimm.f32 $1.000000000e+00;
	v1 =	vlaneseq.u32;
	s20 =	simm.s32 $0x3320;
	s21 =	simm.s32 $0x5B20;
	[dreg:$0x1e] =	wrdreg s29  }
0x20: {  	v2 =	vimm.f32 $0.0e+00;
	v3 =	vor.u32 $0x10, v1;
	v4 =	vor.u32 $0x20, v1;
	s22 =	simm.s32 $0x6B20;
	s0 =	smax.u32 s0, $0x1;
	[dreg:$0x1f] =	wrdreg s30  }
0x21: {  	v5 =	vor.u32 $0x30, v1;
	v6 =	vor.u32 $0x40, v1;
	v7 =	vor.u32 $0x50, v1;
	s23 =	simm.s32 $0x7320;
	s6 =	sadd.s32 $0x3000, s10;
	[dreg:$0x9] =	wrdreg s0  }
0x22: {  	v8 =	vor.u32 $0x60, v1;
	v9 =	vor.u32 $0x70, v1;
	v10 =	vmul.u32 $0x10, v1;
	s10 =	simm.s32 $0x2;
	[dreg:$0xc] =	wrdreg s6;
	s6 =	simm.s32 $0x0  }
.LBB2_1:
0x23: {  	s0 =	simm.s32 $0x0  }
0x24: {  	[smem:$0x7FD] =	sst s6;
	s9 =	simm.s32 $0x3B30;
	[tilespmem:s0+$0x3320] =	vst v0  }
0x25: {  	[smem:$0x0] =	sst s5;
	[tilespmem:s9+$0xFFFFFFF0] =	vst v2  }
0x26: {  	s24 =	simm.s32 $0x40;
	[smem:$0x1] =	sst s5;
	[tilespmem:s9+$0x0] =	vst v2  }
.LBB2_2:
0x27: {  	s25 =	sshra.s32 s24, $0x2;
	[tilespmem:s0+$0x4B20] =	vst v2;
	p0 =	sne.s32 s24, $0x1FC0  }
.Ltmp0:
0x28: {  	[tilespmem:s25+$0x3320] =	vst v0;
	(pc) =	sbr.rel @p0 .LBB2_2-.Ltmp0, $4  }
0x29: {  	[tilespmem:s0+$0x5320] =	vst v2;
	s0 =	smov.u32 s25  }
0x2a: {  	s9 =	sadd.s32 $0x20, s9  }
0x2b: {  	[tilespmem:s9+$0xFFFFFFF0] =	vst v2  }
0x2c: {  	s24 =	sadd.s32 $0x40, s24;
	[tilespmem:s9+$0x0] =	vst v2  }
0x2d: {  	[tilespmem:s0+$0x4B20] =	vst v2  }
0x2e: {  	[tilespmem:s0+$0x5320] =	vst v2;
	s24 =	simm.s32 $0x0  }
.LBB2_4:
0x2f: {  	s0 =	rddreg [dreg:$0x7]  }
0x30: {  	[spmem:s0] =	stream.linear.scatter [tilespmem:s15], [sflag:$0x3], $0x1000, $0x38;
	[tilespmem:$0x1F3D0] =	vst v63  }
0x31: {  	_ =	swait.ge [sflag:s16], $0x1000  }
0x32: {  	[sflag:s16] =	ssyncset.done $0x0  }
0x33: {  	s12 =	rddreg [dreg:$0xa];
	[sflag:s16] =	ssyncadd.s32 $0xFFFFF000  }
0x34: {  	[spmem:s12] =	stream.linear.scatter [tilespmem:s15], [sflag:$0x3], $0x1000, $0x38;
	[tilespmem:$0x1F3D0] =	vst v63  }
0x35: {  	_ =	swait.ge [sflag:s16], $0x1000  }
0x36: {  	[sflag:s16] =	ssyncset.done $0x0  }
0x37: {  	s14 =	rddreg [dreg:$0xb];
	[sflag:s16] =	ssyncadd.s32 $0xFFFFF000  }
0x38: {  	[spmem:s14] =	stream.linear.scatter [tilespmem:s15], [sflag:$0x3], $0x1000, $0x38;
	[tilespmem:$0x1F3D0] =	vst v63  }
0x39: {  	_ =	swait.ge [sflag:s16], $0x1000  }
0x3a: {  	[sflag:s16] =	ssyncset.done $0x0  }
0x3b: {  	s25 =	rddreg [dreg:$0xc];
	[sflag:s16] =	ssyncadd.s32 $0xFFFFF000  }
0x3c: {  	[spmem:s25] =	stream.linear.scatter [tilespmem:s15], [sflag:$0x3], $0x1000, $0x38;
	[tilespmem:$0x1F3D0] =	vst v63  }
0x3d: {  	_ =	swait.ge [sflag:s16], $0x1000  }
0x3e: {  	[sflag:s16] =	ssyncset.done $0x0  }
0x3f: {  	s26 =	rddreg [dreg:$0xd];
	[sflag:s16] =	ssyncadd.s32 $0xFFFFF000  }
0x40: {  	[spmem:s26] =	stream.linear.scatter [tilespmem:s15], [sflag:$0x3], $0x1000, $0x38;
	[tilespmem:$0x1F3D0] =	vst v63  }
0x41: {  	_ =	swait.ge [sflag:s16], $0x1000  }
0x42: {  	[sflag:s16] =	ssyncset.done $0x0  }
0x43: {  	s28 =	rddreg [dreg:$0xe];
	[sflag:s16] =	ssyncadd.s32 $0xFFFFF000  }
0x44: {  	[spmem:s28] =	stream.linear.scatter [tilespmem:s15], [sflag:$0x3], $0x1000, $0x38;
	[tilespmem:$0x1F3D0] =	vst v63  }
0x45: {  	_ =	swait.ge [sflag:s16], $0x1000  }
0x46: {  	[sflag:s16] =	ssyncset.done $0x0  }
0x47: {  	s30 =	rddreg [dreg:$0xf];
	[sflag:s16] =	ssyncadd.s32 $0xFFFFF000  }
0x48: {  	[spmem:s30] =	stream.linear.scatter [tilespmem:s15], [sflag:$0x3], $0x1000, $0x38;
	[tilespmem:$0x1F3D0] =	vst v63  }
0x49: {  	_ =	swait.ge [sflag:s16], $0x1000  }
0x4a: {  	[sflag:s16] =	ssyncset.done $0x0  }
0x4b: {  	s6 =	rddreg [dreg:$0x10];
	[sflag:s16] =	ssyncadd.s32 $0xFFFFF000  }
0x4c: {  	[spmem:s6] =	stream.linear.scatter [tilespmem:s15], [sflag:$0x3], $0x1000, $0x38;
	[tilespmem:$0x1F3D0] =	vst v63  }
0x4d: {  	_ =	swait.ge [sflag:s16], $0x1000  }
0x4e: {  	[sflag:s16] =	ssyncset.done $0x0  }
0x4f: {  	s7 =	rddreg [dreg:$0x11];
	[sflag:s16] =	ssyncadd.s32 $0xFFFFF000  }
0x50: {  	[spmem:s7] =	stream.linear.scatter [tilespmem:s15], [sflag:$0x3], $0x1000, $0x38;
	[tilespmem:$0x1F3D0] =	vst v63  }
0x51: {  	_ =	swait.ge [sflag:s16], $0x1000  }
0x52: {  	[sflag:s16] =	ssyncset.done $0x0  }
0x53: {  	s9 =	rddreg [dreg:$0x12];
	[sflag:s16] =	ssyncadd.s32 $0xFFFFF000  }
0x54: {  	[spmem:s9] =	stream.linear.scatter [tilespmem:s15], [sflag:$0x3], $0x1000, $0x38;
	[tilespmem:$0x1F3D0] =	vst v63  }
0x55: {  	_ =	swait.ge [sflag:s16], $0x1000  }
0x56: {  	[sflag:s16] =	ssyncset.done $0x0  }
0x57: {  	s12 =	rddreg [dreg:$0x13];
	[sflag:s16] =	ssyncadd.s32 $0xFFFFF000  }
0x58: {  	[spmem:s12] =	stream.linear.scatter [tilespmem:s15], [sflag:$0x3], $0x1000, $0x38;
	[tilespmem:$0x1F3D0] =	vst v63  }
0x59: {  	_ =	swait.ge [sflag:s16], $0x1000  }
0x5a: {  	[sflag:s16] =	ssyncset.done $0x0  }
0x5b: {  	s14 =	rddreg [dreg:$0x14];
	[sflag:s16] =	ssyncadd.s32 $0xFFFFF000  }
0x5c: {  	[spmem:s14] =	stream.linear.scatter [tilespmem:s15], [sflag:$0x3], $0x1000, $0x38;
	[tilespmem:$0x1F3D0] =	vst v63  }
0x5d: {  	_ =	swait.ge [sflag:s16], $0x1000  }
0x5e: {  	[sflag:s16] =	ssyncset.done $0x0  }
0x5f: {  	s25 =	rddreg [dreg:$0x15];
	[sflag:s16] =	ssyncadd.s32 $0xFFFFF000  }
0x60: {  	[spmem:s25] =	stream.linear.scatter [tilespmem:s15], [sflag:$0x3], $0x1000, $0x38;
	[tilespmem:$0x1F3D0] =	vst v63  }
0x61: {  	_ =	swait.ge [sflag:s16], $0x1000  }
0x62: {  	[sflag:s16] =	ssyncset.done $0x0  }
0x63: {  	s26 =	rddreg [dreg:$0x16];
	[sflag:s16] =	ssyncadd.s32 $0xFFFFF000  }
0x64: {  	[spmem:s26] =	stream.linear.scatter [tilespmem:s15], [sflag:$0x3], $0x1000, $0x38;
	[tilespmem:$0x1F3D0] =	vst v63  }
0x65: {  	_ =	swait.ge [sflag:s16], $0x1000  }
0x66: {  	[sflag:s16] =	ssyncset.done $0x0  }
0x67: {  	s28 =	rddreg [dreg:$0x17];
	[sflag:s16] =	ssyncadd.s32 $0xFFFFF000  }
0x68: {  	[spmem:s28] =	stream.linear.scatter [tilespmem:s15], [sflag:$0x3], $0x1000, $0x38;
	[tilespmem:$0x1F3D0] =	vst v63  }
0x69: {  	_ =	swait.ge [sflag:s16], $0x1000  }
0x6a: {  	[sflag:s16] =	ssyncset.done $0x0  }
0x6b: {  	s30 =	rddreg [dreg:$0x18];
	[sflag:s16] =	ssyncadd.s32 $0xFFFFF000  }
0x6c: {  	[spmem:s30] =	stream.linear.scatter [tilespmem:s15], [sflag:$0x3], $0x1000, $0x38;
	[tilespmem:$0x1F3D0] =	vst v63  }
0x6d: {  	_ =	swait.ge [sflag:s16], $0x1000  }
0x6e: {  	[sflag:s16] =	ssyncset.done $0x0  }
0x6f: {  	[sflag:s16] =	ssyncadd.s32 $0xFFFFF000  }
0x70: {  	[spmem:s11] =	stream.linear.scatter [tilespmem:s17], [sflag:$0x3], $0x1000, $0x38;
	[tilespmem:$0x1F3D0] =	vst v63  }
0x71: {  	_ =	swait.ge [sflag:s16], $0x1000  }
0x72: {  	[sflag:s16] =	ssyncset.done $0x0  }
0x73: {  	s6 =	rddreg [dreg:$0x19];
	[sflag:s16] =	ssyncadd.s32 $0xFFFFF000  }
0x74: {  	[spmem:s6] =	stream.linear.scatter [tilespmem:s17], [sflag:$0x3], $0x1000, $0x38;
	[tilespmem:$0x1F3D0] =	vst v63  }
0x75: {  	_ =	swait.ge [sflag:s16], $0x1000  }
0x76: {  	[sflag:s16] =	ssyncset.done $0x0  }
0x77: {  	s7 =	rddreg [dreg:$0x1a];
	[sflag:s16] =	ssyncadd.s32 $0xFFFFF000  }
0x78: {  	[spmem:s7] =	stream.linear.scatter [tilespmem:s17], [sflag:$0x3], $0x1000, $0x38;
	[tilespmem:$0x1F3D0] =	vst v63  }
0x79: {  	_ =	swait.ge [sflag:s16], $0x1000  }
0x7a: {  	[sflag:s16] =	ssyncset.done $0x0  }
0x7b: {  	s9 =	rddreg [dreg:$0x1b];
	[sflag:s16] =	ssyncadd.s32 $0xFFFFF000  }
0x7c: {  	[spmem:s9] =	stream.linear.scatter [tilespmem:s17], [sflag:$0x3], $0x1000, $0x38;
	[tilespmem:$0x1F3D0] =	vst v63  }
0x7d: {  	_ =	swait.ge [sflag:s16], $0x1000  }
0x7e: {  	[sflag:s16] =	ssyncset.done $0x0  }
0x7f: {  	s12 =	rddreg [dreg:$0x1c];
	[sflag:s16] =	ssyncadd.s32 $0xFFFFF000  }
0x80: {  	[spmem:s12] =	stream.linear.scatter [tilespmem:s17], [sflag:$0x3], $0x1000, $0x38;
	[tilespmem:$0x1F3D0] =	vst v63  }
0x81: {  	_ =	swait.ge [sflag:s16], $0x1000  }
0x82: {  	[sflag:s16] =	ssyncset.done $0x0  }
0x83: {  	s14 =	rddreg [dreg:$0x1d];
	[sflag:s16] =	ssyncadd.s32 $0xFFFFF000  }
0x84: {  	[spmem:s14] =	stream.linear.scatter [tilespmem:s17], [sflag:$0x3], $0x1000, $0x38;
	[tilespmem:$0x1F3D0] =	vst v63  }
0x85: {  	_ =	swait.ge [sflag:s16], $0x1000  }
0x86: {  	[sflag:s16] =	ssyncset.done $0x0  }
0x87: {  	s25 =	rddreg [dreg:$0x1e];
	[sflag:s16] =	ssyncadd.s32 $0xFFFFF000  }
0x88: {  	[spmem:s25] =	stream.linear.scatter [tilespmem:s17], [sflag:$0x3], $0x1000, $0x38;
	[tilespmem:$0x1F3D0] =	vst v63  }
0x89: {  	_ =	swait.ge [sflag:s16], $0x1000  }
0x8a: {  	[sflag:s16] =	ssyncset.done $0x0  }
0x8b: {  	s26 =	rddreg [dreg:$0x1f];
	[sflag:s16] =	ssyncadd.s32 $0xFFFFF000  }
0x8c: {  	[spmem:s26] =	stream.linear.scatter [tilespmem:s17], [sflag:$0x3], $0x1000, $0x38;
	[tilespmem:$0x1F3D0] =	vst v63  }
0x8d: {  	p0 =	por $0x0, $0x0;
	s29 =	simm.s32 $0x0;
	_ =	swait.ge [sflag:s16], $0x1000  }
.Ltmp1:
0x8e: {  	s28 =	sshll.u32 s24, $0x1;
	[sflag:s16] =	ssyncset.done $0x0;
	(pc) =	sbr.rel .LBB2_6-.Ltmp1, $4  }
0x8f: {  	s7 =	simm.s32 $0x0;
	s6 =	rddreg [dreg:$0x6];
	[sflag:s16] =	ssyncadd.s32 $0xFFFFF000  }
0x90: {  	s9 =	smov.u32 s31;
	s0 =	sor.u32 s6, s28;
	[bflag:$0x0] =	sbarrier.arrive $0xFFFF  }
0x91: {  	s26 =	simm.s32 $0x0;
	s25 =	sshll.u32 s0, $0xF;
	s30 =	rddreg [dreg:$0x8]  }
0x92: {  	v12 =	vmov s0;
	v11 =	vmov s25;
	[tilespmem:s7], [sflag:$0x2] =	stream.linear.gather [hbm4b:s30+s7], $0x800, $0x38;
	[tilespmem:$0x1F3D0] =	vst v63  }
.LBB2_5:
0x93: {  	p1 =	seq.s32 s29, $0x1F  }
.Ltmp2:
0x94: {  	_ = 	snop;
	(pc) =	sbr.rel @p1 .LBB2_10-.Ltmp2, $2  }
0x95: {  	_ =	sdelay $0x2  }
0x96: {  	s9 =	sadd.s32 $0x800, s9;
	p0 =	por !p0, !p0  }
.LBB2_6:
0x97: {  	s0 =	smov.u32 s29;
	s28 =	simm.s32 $0x1;
	s29 =	sadd.s32 $0x1, s29  }
0x98: {  	_ =	swait.ge [sflag:s10], $0x800;
	p1 =	seq.s32 s0, $0x1E;
	s28 =	simm.s32 @!p0 $0x0  }
0x99: {  	s0 =	sand.u32 $0x1, s0;
	[sflag:s10] =	ssyncset.done $0x0;
	s30 =	sshll.u32 @!p1 s29, $0xB  }
.Ltmp3:
0x9a: {  	[sflag:s10] =	ssyncadd.s32 $0xFFFFF800;
	s30 =	sadd.s32 @!p1 s31, s30;
	(pc) =	sbr.rel .LBB2_7-.Ltmp3, $4  }
0x9b: {  	s0 =	sshll.u32 @!p1 s0, $0xB;
	s6 =	simm.s32 @!p1 $0x0;
	s30 =	sshrl.u32 @!p1 s30, $0x3  }
0x9c: {  	s14 =	sshll.u32 s28, $0xB;
	s0 =	sxor.u32 @!p1 $0x800, s0;
	s30 =	sadd.s32 @!p1 s1, s30  }
0x9d: {  	[tilespmem:s0], [sflag:$0x2] =	stream.linear.gather @!p1 [hbm4b:s30+s6], $0x800, $0x38;
	[tilespmem:$0x1F3D0] =	vst v63  }
0x9e: {  	s28 =	smov.u32 s9;
	v13 =	vmov s14;
	s30 =	simm.s32 $0x0  }
.LBB2_9:
0x9f: {  	s30 =	sadd.s32 $0x40, s30  }
0xa0: {  	p2 =	seq.s32 s30, $0x2000  }
.Ltmp4:
0xa1: {  	_ = 	snop;
	(pc) =	sbr.rel @p2 .LBB2_5-.Ltmp4, $3  }
0xa2: {  	_ =	sdelay $0x1  }
0xa3: {  	p1 =	sgt.s32 s26, $0x7F;
	s0 =	sadd.s32 $0xFFFFFF80, s26  }
0xa4: {  	s28 =	sadd.s32 $0x10, s28;
	s26 =	smov.u32 @p1 s0  }
.LBB2_7:
0xa5: {  	_ =	sdelay $0x2  }
0xa6: {  	s0 =	sshra.s32 s30, $0x2  }
0xa7: {  	v14 =	vld.idx.msk [tilespmem:v13+s0+$0x0 ss:$0x1], $0xffff;
	_ =	sdelay $0x4  }
0xa8: {  	v15 =	vshra.s32 v14, $0xF  }
0xa9: {  	vm0 =	veq.s32 v15, v12  }
0xaa: {  	v15 =	vmpcnt.ones.xlane vm0;
	_ =	sdelay $0x1  }
0xab: {  	v15 =	vxor.u32 $0x80000000, v15  }
0xac: {  	(xrf0) =	vmax.scan.msk.u32 $0xffff, v15;
	_ =	sdelay $0x5  }
0xad: {  	v15, _, _ =	vpop (xrf0)  }
0xae: {  	(v2sf) =	vpush v15, $0xF;
	_ =	sdelay $0xe  }
0xaf: {  	v14 =	vsub.s32 v14, v11;
	s14 =	spop (v2sf)  }
0xb0: {  	[tilespmem:s26+$0x1000] =	vst.msk vm0, v14;
	v14 =	vor.u32 s28, v1;
	s0 =	sadd.s32 s14, s26  }
0xb1: {  	[tilespmem:s26+$0x1090] =	vst.msk vm0, v14;
	s26 =	sadd.s32 $0x80000000, s0  }
0xb2: {  	p1 =	slt.s32 s26, $0x80  }
.Ltmp5:
0xb3: {  	_ = 	snop;
	(pc) =	sbr.rel @p1 .LBB2_9-.Ltmp5, $1  }
0xb4: {  	_ =	sdelay $0x3  }
0xb5: {  	s6 =	sld [smem:$0x1]  }
0xb6: {  	s0 =	sld [smem:$0x0];
	_ =	sdelay $0x1  }
0xb7: {  	p1 =	seq.s32 s6, $0x1  }
0xb8: {  	s6 =	simm.s32 @p1 $0x1;
	s14 =	sshll.u32 @p1 s0, $0x7  }
0xb9: {  	_ =	swait.ge @p1 [sflag:s6], $0x1000;
	s7 =	ssub.s32 @p1 $0x80, s14  }
0xba: {  	[sflag:s6] =	ssyncset.done @p1 $0x0;
	s7 =	sshll.u32 @p1 s7, $0x7  }
0xbb: {  	[sflag:s6] =	ssyncadd.s32 @p1 $0xFFFFF000;
	s6 =	sshra.s32 @p1 s7, $0x2  }
0xbc: {  	s12 =	simm.s32 @p1 $0x80;
	s7 =	ssub.s32 @p1 $0x11A0, s14;
	s6 =	sadd.s32 @p1 $0x1320, s6  }
0xbd: {  	[spmem:s3] =	stream.indirect.scatter.add.f32 @p1 [tilespmem:s6], [sflag:$0x3], $0x20, s7, s12, $0xb8;
	[tilespmem:$0x1F3D0] =	vst v63  }
0xbe: {  	s6 =	simm.s32 @p1 $0x3  }
0xbf: {  	_ =	swait.ge @p1 [sflag:s6], $0x1000  }
0xc0: {  	[sflag:s6] =	ssyncset.done @p1 $0x0  }
0xc1: {  	[sflag:s6] =	ssyncadd.s32 @p1 $0xFFFFF000  }
0xc2: {  	v14 =	vld [tilespmem:$0x1000];
	_ =	sdelay $0x2  }
0xc3: {  	s6 =	sshll.u32 @!p1 s0, $0x7  }
0xc4: {  	s6 =	smov.u32 @p1 s14  }
0xc5: {  	[tilespmem:s6+$0x1120] =	vst v14  }
0xc6: {  	v14 =	vld [tilespmem:$0x1090];
	_ =	sdelay $0x4  }
0xc7: {  	[tilespmem:s6+$0x1220] =	vst v14  }
0xc8: {  	v14 =	vld [tilespmem:$0x1010];
	_ =	sdelay $0x4  }
0xc9: {  	[tilespmem:s6+$0x1130] =	vst v14  }
0xca: {  	v14 =	vld [tilespmem:$0x10A0];
	_ =	sdelay $0x4  }
0xcb: {  	[tilespmem:s6+$0x1230] =	vst v14  }
0xcc: {  	v14 =	vld [tilespmem:$0x1020];
	_ =	sdelay $0x4  }
0xcd: {  	[tilespmem:s6+$0x1140] =	vst v14  }
0xce: {  	v14 =	vld [tilespmem:$0x10B0];
	_ =	sdelay $0x4  }
0xcf: {  	[tilespmem:s6+$0x1240] =	vst v14  }
0xd0: {  	v14 =	vld [tilespmem:$0x1030];
	_ =	sdelay $0x4  }
0xd1: {  	[tilespmem:s6+$0x1150] =	vst v14  }
0xd2: {  	v14 =	vld [tilespmem:$0x10C0];
	_ =	sdelay $0x4  }
0xd3: {  	[tilespmem:s6+$0x1250] =	vst v14  }
0xd4: {  	v14 =	vld [tilespmem:$0x1040];
	_ =	sdelay $0x4  }
0xd5: {  	[tilespmem:s6+$0x1160] =	vst v14  }
0xd6: {  	v14 =	vld [tilespmem:$0x10D0];
	_ =	sdelay $0x4  }
0xd7: {  	[tilespmem:s6+$0x1260] =	vst v14  }
0xd8: {  	v14 =	vld [tilespmem:$0x1050];
	_ =	sdelay $0x4  }
0xd9: {  	[tilespmem:s6+$0x1170] =	vst v14  }
0xda: {  	v14 =	vld [tilespmem:$0x10E0];
	_ =	sdelay $0x4  }
0xdb: {  	[tilespmem:s6+$0x1270] =	vst v14  }
0xdc: {  	v14 =	vld [tilespmem:$0x1060];
	_ =	sdelay $0x4  }
0xdd: {  	[tilespmem:s6+$0x1180] =	vst v14  }
0xde: {  	v14 =	vld [tilespmem:$0x10F0];
	_ =	sdelay $0x4  }
0xdf: {  	[tilespmem:s6+$0x1280] =	vst v14  }
0xe0: {  	v14 =	vld [tilespmem:$0x1070];
	_ =	sdelay $0x4  }
0xe1: {  	[tilespmem:s6+$0x1190] =	vst v14  }
0xe2: {  	v14 =	vld [tilespmem:$0x1100];
	_ =	sdelay $0x4  }
0xe3: {  	s12 =	sadd.s32 $0x1120, s6;
	[tilespmem:s6+$0x1290] =	vst v14  }
0xe4: {  	[spmem:s4] =	stream.indirect.scatter.add.f32 [tilespmem:s20], [sflag:$0x3], $0x10, s12, s19, $0xb8;
	[tilespmem:$0x1F3D0] =	vst v63  }
0xe5: {  	s14 =	sshll.u32 s0, $0xE;
	_ =	swait.ge [sflag:s16], $0x800  }
0xe6: {  	s7 =	sshra.s32 s14, $0x2;
	[sflag:s16] =	ssyncset.done $0x0  }
0xe7: {  	s7 =	sadd.s32 $0x1320, s7;
	s6 =	sadd.s32 $0x1220, s6;
	[sflag:s16] =	ssyncadd.s32 $0xFFFFF800  }
0xe8: {  	[tilespmem:s7], [sflag:$0x1] =	stream.indirect.gather [hbm4b:s8+s19], $0x20, s6, s19, $0xb8;
	[tilespmem:$0x1F3D0] =	vst v63  }
0xe9: {  	v14 =	vld [tilespmem:$0x1080]  }
0xea: {  	v15 =	vld [tilespmem:$0x1110]  }
.Ltmp6:
0xeb: {  	_ = 	snop;
	(pc) =	sbr.rel .LBB2_9-.Ltmp6, $4  }
0xec: {  	_ = 	snop  }
0xed: {  	s0 =	ssub.s32 $0x1, s0  }
0xee: {  	[smem:$0x0] =	sst s0;
	[tilespmem:$0x1000] =	vst v14  }
0xef: {  	[smem:$0x1] =	sst s18;
	[tilespmem:$0x1090] =	vst v15  }
.LBB2_10:
0xf0: {  	v11 =	vld [tilespmem:$0x1000]  }
0xf1: {  	v12 =	vld [tilespmem:$0x1090]  }
0xf2: {  	v13 =	vld [tilespmem:$0x1010]  }
0xf3: {  	v14 =	vmov s26;
	v15 =	vld [tilespmem:$0x10A0]  }
0xf4: {  	v16 =	vld [tilespmem:$0x1020];
	vm0 =	vgt.s32 v14, v1  }
0xf5: {  	v17 =	vld [tilespmem:$0x10B0];
	v11 =	vnsel vm0, $0x8000, v11  }
0xf6: {  	v54 =	vld [tilespmem:$0x1030];
	vm9 =	vgt.s32 v14, v3;
	[tilespmem:$0x1000] =	vst v11;
	v11 =	vnsel vm0, $0x0, v12  }
0xf7: {  	v55 =	vld [tilespmem:$0x10C0];
	[tilespmem:$0x1090] =	vst v11;
	v11 =	vnsel vm9, $0x8000, v13  }
0xf8: {  	v56 =	vld [tilespmem:$0x1040];
	vm10 =	vgt.s32 v14, v4;
	[tilespmem:$0x1010] =	vst v11;
	v11 =	vnsel vm9, $0x0, v15  }
0xf9: {  	v57 =	vld [tilespmem:$0x10D0];
	[tilespmem:$0x10A0] =	vst v11;
	v11 =	vnsel vm10, $0x8000, v16  }
0xfa: {  	v58 =	vld [tilespmem:$0x1050];
	vm11 =	vgt.s32 v14, v5;
	[tilespmem:$0x1020] =	vst v11;
	v11 =	vnsel vm10, $0x0, v17  }
0xfb: {  	v59 =	vld [tilespmem:$0x10E0];
	[tilespmem:$0x10B0] =	vst v11;
	v11 =	vnsel vm11, $0x8000, v54  }
0xfc: {  	v60 =	vld [tilespmem:$0x1060];
	vm12 =	vgt.s32 v14, v6;
	[tilespmem:$0x1030] =	vst v11;
	v11 =	vnsel vm11, $0x0, v55  }
0xfd: {  	v61 =	vld [tilespmem:$0x10F0];
	[tilespmem:$0x10C0] =	vst v11;
	v11 =	vnsel vm12, $0x8000, v56  }
0xfe: {  	v62 =	vld [tilespmem:$0x1070];
	vm13 =	vgt.s32 v14, v7;
	[tilespmem:$0x1040] =	vst v11;
	v11 =	vnsel vm12, $0x0, v57  }
0xff: {  	v63 =	vld [tilespmem:$0x1100];
	[tilespmem:$0x10D0] =	vst v11;
	v11 =	vnsel vm13, $0x8000, v58  }
0x100: {  	vm14 =	vgt.s32 v14, v8;
	[tilespmem:$0x1050] =	vst v11;
	v11 =	vnsel vm13, $0x0, v59  }
0x101: {  	s0 =	sld [smem:$0x1];
	[tilespmem:$0x10E0] =	vst v11;
	v11 =	vnsel vm14, $0x8000, v60  }
0x102: {  	s9 =	sld [smem:$0x0];
	vm15 =	vgt.s32 v14, v9;
	[tilespmem:$0x1060] =	vst v11;
	v11 =	vnsel vm14, $0x0, v61  }
0x103: {  	[tilespmem:$0x10F0] =	vst v11;
	v11 =	vnsel vm15, $0x8000, v62  }
0x104: {  	p0 =	seq.s32 s0, $0x1;
	[tilespmem:$0x1070] =	vst v11;
	v11 =	vnsel vm15, $0x0, v63  }
0x105: {  	s0 =	simm.s32 @p0 $0x1;
	s6 =	sshll.u32 @p0 s9, $0x7;
	[tilespmem:$0x1100] =	vst v11  }
0x106: {  	s7 =	ssub.s32 @p0 $0x80, s6;
	_ =	swait.ge @p0 [sflag:s0], $0x1000  }
0x107: {  	s7 =	sshll.u32 @p0 s7, $0x7;
	[sflag:s0] =	ssyncset.done @p0 $0x0  }
0x108: {  	[sflag:s0] =	ssyncadd.s32 @p0 $0xFFFFF000;
	s0 =	sshra.s32 @p0 s7, $0x2  }
0x109: {  	s12 =	simm.s32 @p0 $0x80;
	s7 =	ssub.s32 @p0 $0x11A0, s6;
	s0 =	sadd.s32 @p0 $0x1320, s0  }
0x10a: {  	[spmem:s3] =	stream.indirect.scatter.add.f32 @p0 [tilespmem:s0], [sflag:$0x3], $0x20, s7, s12, $0xb8;
	[tilespmem:$0x1F3D0] =	vst v63  }
0x10b: {  	s0 =	simm.s32 @p0 $0x3  }
0x10c: {  	_ =	swait.ge @p0 [sflag:s0], $0x1000  }
0x10d: {  	[sflag:s0] =	ssyncset.done @p0 $0x0  }
0x10e: {  	[sflag:s0] =	ssyncadd.s32 @p0 $0xFFFFF000  }
0x10f: {  	v11 =	vld [tilespmem:$0x1000];
	_ =	sdelay $0x2  }
0x110: {  	s0 =	sshll.u32 @!p0 s9, $0x7  }
0x111: {  	s0 =	smov.u32 @p0 s6  }
0x112: {  	[tilespmem:s0+$0x1120] =	vst v11  }
0x113: {  	v11 =	vld [tilespmem:$0x1090];
	_ =	sdelay $0x4  }
0x114: {  	[tilespmem:s0+$0x1220] =	vst v11  }
0x115: {  	v11 =	vld [tilespmem:$0x1010];
	_ =	sdelay $0x4  }
0x116: {  	[tilespmem:s0+$0x1130] =	vst v11  }
0x117: {  	v11 =	vld [tilespmem:$0x10A0];
	_ =	sdelay $0x4  }
0x118: {  	[tilespmem:s0+$0x1230] =	vst v11  }
0x119: {  	v11 =	vld [tilespmem:$0x1020];
	_ =	sdelay $0x4  }
0x11a: {  	[tilespmem:s0+$0x1140] =	vst v11  }
0x11b: {  	v11 =	vld [tilespmem:$0x10B0];
	_ =	sdelay $0x4  }
0x11c: {  	[tilespmem:s0+$0x1240] =	vst v11  }
0x11d: {  	v11 =	vld [tilespmem:$0x1030];
	_ =	sdelay $0x4  }
0x11e: {  	[tilespmem:s0+$0x1150] =	vst v11  }
0x11f: {  	v11 =	vld [tilespmem:$0x10C0];
	_ =	sdelay $0x4  }
0x120: {  	[tilespmem:s0+$0x1250] =	vst v11  }
0x121: {  	v11 =	vld [tilespmem:$0x1040];
	_ =	sdelay $0x4  }
0x122: {  	[tilespmem:s0+$0x1160] =	vst v11  }
0x123: {  	v11 =	vld [tilespmem:$0x10D0];
	_ =	sdelay $0x4  }
0x124: {  	[tilespmem:s0+$0x1260] =	vst v11  }
0x125: {  	v11 =	vld [tilespmem:$0x1050];
	_ =	sdelay $0x4  }
0x126: {  	[tilespmem:s0+$0x1170] =	vst v11  }
0x127: {  	v11 =	vld [tilespmem:$0x10E0];
	_ =	sdelay $0x4  }
0x128: {  	[tilespmem:s0+$0x1270] =	vst v11  }
0x129: {  	v11 =	vld [tilespmem:$0x1060];
	_ =	sdelay $0x4  }
0x12a: {  	[tilespmem:s0+$0x1180] =	vst v11  }
0x12b: {  	v11 =	vld [tilespmem:$0x10F0];
	_ =	sdelay $0x4  }
0x12c: {  	[tilespmem:s0+$0x1280] =	vst v11  }
0x12d: {  	v11 =	vld [tilespmem:$0x1070];
	_ =	sdelay $0x4  }
0x12e: {  	[tilespmem:s0+$0x1190] =	vst v11  }
0x12f: {  	v11 =	vld [tilespmem:$0x1100];
	_ =	sdelay $0x4  }
0x130: {  	s6 =	sadd.s32 $0x1120, s0;
	[tilespmem:s0+$0x1290] =	vst v11  }
0x131: {  	[spmem:s4] =	stream.indirect.scatter.add.f32 [tilespmem:s20], [sflag:$0x3], $0x10, s6, s19, $0xb8;
	[tilespmem:$0x1F3D0] =	vst v63  }
0x132: {  	s14 =	sshll.u32 s9, $0xE;
	s26 =	ssub.s32 $0x1, s9;
	_ =	swait.ge [sflag:s16], $0x800  }
0x133: {  	s29 =	sshll.u32 s26, $0x7;
	s6 =	sshra.s32 s14, $0x2;
	[sflag:s16] =	ssyncset.done $0x0  }
0x134: {  	s0 =	sadd.s32 $0x1220, s0;
	s6 =	sadd.s32 $0x1320, s6;
	[sflag:s16] =	ssyncadd.s32 $0xFFFFF800  }
0x135: {  	[tilespmem:s6], [sflag:$0x1] =	stream.indirect.gather [hbm4b:s8+s19], $0x20, s0, s19, $0xb8;
	[tilespmem:$0x1F3D0] =	vst v63  }
0x136: {  	s30 =	ssub.s32 $0x80, s29;
	[smem:$0x0] =	sst s26  }
0x137: {  	s0 =	sshll.u32 s30, $0x7;
	_ =	swait.ge [sflag:s18], $0x1000  }
0x138: {  	s0 =	sshra.s32 s0, $0x2;
	[sflag:s18] =	ssyncset.done $0x0  }
0x139: {  	s6 =	ssub.s32 $0x11A0, s29;
	s0 =	sadd.s32 $0x1320, s0;
	[sflag:s18] =	ssyncadd.s32 $0xFFFFF000  }
0x13a: {  	[spmem:s3] =	stream.indirect.scatter.add.f32 [tilespmem:s0], [sflag:$0x3], $0x20, s6, s19, $0xb8;
	[tilespmem:$0x1F3D0] =	vst v63  }
0x13b: {  	_ =	swait.ge [sflag:s16], $0x1000  }
0x13c: {  	[sflag:s16] =	ssyncset.done $0x0  }
0x13d: {  	s26 =	simm.s32 $0x0;
	[sflag:s16] =	ssyncadd.s32 $0xFFFFF000  }
0x13e: {  	[smem:$0x1] =	sst s26  }
0x13f: {  	s28 =	simm.s32 $0x0;
	[bflag:$0x0] =	sbarrier.arrive $0xFFFF  }
.LBB2_11:
0x140: {  	s0 =	sshll.u32 s28, $0x7  }
0x141: {  	s29 =	sadd.s32 s13, s0  }
0x142: {  	s0 =	sshll.u32 s29, $0x5  }
0x143: {  	s0 =	sand.u32 $0x3FFFFFE0, s0  }
0x144: {  	s0 =	sadd.s32 s0, s3  }
0x145: {  	[tilespmem:s21], [sflag:$0x3] =	stream.linear.gather [spmem:s0], $0x1000, $0x38;
	[tilespmem:$0x1F3D0] =	vst v63  }
0x146: {  	v11 =	vmov s26;
	s14 =	sshll.u32 s29, $0x4;
	_ =	swait.ge [sflag:s16], $0x1000  }
0x147: {  	v11 =	vshll.u32 v11, $0x4;
	s0 =	sand.u32 $0x3FFFFFF0, s14;
	[sflag:s16] =	ssyncset.done $0x0  }
0x148: {  	v11 =	vor.u32 v10, v11;
	s0 =	sadd.s32 s0, s4;
	[sflag:s16] =	ssyncadd.s32 $0xFFFFF000  }
0x149: {  	[tilespmem:s22], [sflag:$0x3] =	stream.linear.gather [spmem:s0], $0x800, $0x38;
	[tilespmem:$0x1F3D0] =	vst v63  }
0x14a: {  	_ =	swait.ge [sflag:s16], $0x800  }
0x14b: {  	[sflag:s16] =	ssyncset.done $0x0  }
0x14c: {  	[sflag:s16] =	ssyncadd.s32 $0xFFFFF800  }
0x14d: {  	v11 =	vld.idx.msk [tilespmem:v11+s22+$0x0], $0xffff;
	_ =	sdelay $0x4  }
0x14e: {  	v11 =	vmax.f32 v11, $1.000000000e+00  }
0x14f: {  	(erf) = vrcp.f32 v11;
	_ =	sdelay $0x2  }
0x150: {  	s30 =	simm.s32 $0x10  }
0x151: {  	v11 =	vmov s30  }
0x152: {  	v11 =	vshll.u32 v11, $0x4  }
0x153: {  	v11 =	vor.u32 v10, v11;
	_ =	sdelay $0x2  }
0x154: {  	s0 =	simm.s32 $0x7320;
	v12 =	vpop (erf)  }
0x155: {  	[tilespmem:s0+$0x0] =	vst v12  }
0x156: {  	v11 =	vld.idx.msk [tilespmem:v11+s22+$0x0], $0xffff;
	_ =	sdelay $0x4  }
0x157: {  	v11 =	vmax.f32 v11, $1.000000000e+00  }
0x158: {  	(erf) = vrcp.f32 v11;
	_ =	sdelay $0x2  }
0x159: {  	s6 =	simm.s32 $0x20  }
0x15a: {  	s9 =	simm.s32 $0x30;
	v11 =	vmov s6  }
.LBB2_12:
0x15b: {  	p0 =	sne.s32 s9, $0x70;
	v11 =	vshll.u32 v11, $0x4  }
0x15c: {  	v11 =	vor.u32 v10, v11;
	_ =	sdelay $0x2  }
0x15d: {  	s0 =	sadd.s32 $0x10, s0;
	v12 =	vpop (erf)  }
0x15e: {  	[tilespmem:s0+$0x0] =	vst v12  }
0x15f: {  	v11 =	vld.idx.msk [tilespmem:v11+s22+$0x0], $0xffff;
	_ =	sdelay $0x5  }
0x160: {  	v11 =	vmax.f32 v11, $1.000000000e+00  }
.Ltmp7:
0x161: {  	(erf) = vrcp.f32 v11;
	(pc) =	sbr.rel @p0 .LBB2_12-.Ltmp7, $2  }
0x162: {  	_ =	sdelay $0x2  }
0x163: {  	v11 =	vmov s9;
	s9 =	sadd.s32 $0x10, s9  }
0x164: {  	v11 =	vshll.u32 v11, $0x4  }
0x165: {  	v11 =	vor.u32 v10, v11;
	_ =	sdelay $0x2  }
0x166: {  	s0 =	sadd.s32 $0x10, s0;
	v12 =	vpop (erf)  }
0x167: {  	[tilespmem:s0+$0x0] =	vst v12  }
0x168: {  	v11 =	vld.idx.msk [tilespmem:v11+s22+$0x0], $0xffff;
	_ =	sdelay $0x4  }
0x169: {  	v11 =	vmax.f32 v11, $1.000000000e+00  }
0x16a: {  	(erf) = vrcp.f32 v11;
	_ =	sdelay $0x5  }
0x16b: {  	s6 =	simm.s32 $0x0  }
0x16c: {  	v11 =	vmov s6;
	_ =	sdelay $0x1  }
0x16d: {  	s0 =	sadd.s32 $0x10, s0;
	v12 =	vpop (erf)  }
0x16e: {  	[tilespmem:s0+$0x0] =	vst v12;
	s0 =	simm.s32 $0x5B30  }
0x16f: {  	v12 =	vld [tilespmem:s0+$0xFFFFFFF0]  }
0x170: {  	v13 =	vld.idx.msk [tilespmem:v11+s23+$0x0], $0xffff  }
0x171: {  	v14 =	vld [tilespmem:s0+$0x0];
	_ =	sdelay $0x2  }
0x172: {  	s14 =	simm.s32 $0x1  }
0x173: {  	s30 =	simm.s32 $0x2;
	s9 =	simm.s32 $0x5B30;
	v11 =	vmov s14  }
.LBB2_14:
0x174: {  	p0 =	sne.s32 s30, $0x7F;
	v12 =	vmul.f32 v12, v13;
	v13 =	vmul.f32 v14, v13;
	_ =	sdelay $0x1  }
0x175: {  	s9 =	sadd.s32 $0x20, s9;
	[tilespmem:s0+$0xFFFFFFF0] =	vst v12  }
0x176: {  	v12 =	vld [tilespmem:s9+$0xFFFFFFF0];
	[tilespmem:s0+$0x0] =	vst v13;
	s0 =	smov.u32 s9  }
0x177: {  	v13 =	vld.idx.msk [tilespmem:v11+s23+$0x0], $0xffff  }
.Ltmp8:
0x178: {  	v14 =	vld [tilespmem:s9+$0x0];
	(pc) =	sbr.rel @p0 .LBB2_14-.Ltmp8, $2  }
0x179: {  	_ =	sdelay $0x2  }
0x17a: {  	v11 =	vmov s30;
	s30 =	sadd.s32 $0x1, s30  }
0x17b: {  	v12 =	vmul.f32 v12, v13  }
0x17c: {  	v63 =	vmul.f32 v14, v13  }
0x17d: {  	s6 =	sadd.s32 $0x20, s9;
	[tilespmem:s0+$0xFFFFFFF0] =	vst v12  }
0x17e: {  	v12 =	vld [tilespmem:s6+$0xFFFFFFF0];
	[tilespmem:s0+$0x0] =	vst v63  }
0x17f: {  	v11 =	vld.idx.msk [tilespmem:v11+s23+$0x0], $0xffff  }
0x180: {  	v13 =	vld [tilespmem:s6+$0x0];
	_ =	sdelay $0x3  }
0x181: {  	v12 =	vmul.f32 v12, v11  }
0x182: {  	s30 =	sadd.s32 s25, s29;
	s28 =	sadd.s32 $0x1, s28;
	v11 =	vmul.f32 v13, v11  }
0x183: {  	p0 =	sne.s32 s28, $0x10;
	s0 =	sshll.u32 s30, $0x2;
	[tilespmem:s6+$0xFFFFFFF0] =	vst v12  }
.Ltmp9:
0x184: {  	s0 =	sadd.s32 s2, s0;
	[tilespmem:s6+$0x0] =	vst v11;
	(pc) =	sbr.rel @p0 .LBB2_11-.Ltmp9, $4  }
0x185: {  	[hbm4b:s0+s5] =	stream.linear.scatter [tilespmem:s21], [sflag:$0x3], $0x1000, $0x38;
	[tilespmem:$0x1F3D0] =	vst v63  }
0x186: {  	_ =	swait.ge [sflag:s16], $0x1000  }
0x187: {  	[sflag:s16] =	ssyncset.done $0x0  }
0x188: {  	[sflag:s16] =	ssyncadd.s32 $0xFFFFF000  }
0x189: {  	s24 =	sadd.s32 $0x1, s24  }
0x18a: {  	p0 =	sne.s32 s24, $0x4  }
.Ltmp10:
0x18b: {  	_ = 	snop;
	(pc) =	sbr.rel @p0 .LBB2_4-.Ltmp10, $2  }
0x18c: {  	_ =	sdelay $0x1  }
0x18d: {  	[bflag:$0x0] =	sbarrier.arrive $0xFFFF;
	_ =	sdelay $0x1  }
0x18e: {  	s6 =	sld [smem:$0x7FD];
	_ =	sdelay $0x2  }
0x18f: {  	s0 =	rddreg [dreg:$0x9];
	s6 =	sadd.s32 $0x1, s6  }
0x190: {  	p0 =	sne.s32 s6, s0  }
.Ltmp11:
0x191: {  	_ = 	snop;
	(pc) =	sbr.rel @p0 .LBB2_1-.Ltmp11, $1  }
0x192: {  	_ =	sdelay $0x3  }
0x193: {  	_ =	sfence.sel $0x180000  }
0x194: {  	[bflag:$0x0] =	sbarrier.arrive $0xFFFF  }
0x195: {  	_ =	strace $0x90000047  }
0x196: {  	s0 =	stileid.u32;
	[bflag:$0x2] =	sbarrier.arrive $0xFFFF  }
0x197: {  	p0 =	sne.s32 s0, $0x0;
	s0 =	rddreg [dreg:$0x5]  }
0x198: {  	s0 =	sadd.s32 @!p0 $0x100000, s0  }
0x199: {  	[sflag:s0] =	ssyncadd.tile.s32 @!p0 $0x1;
	_ =	shalt  }
.Lfunc_end2:
_tile_overlayer_lowered:
.L_overlay_start_2:
0x19a: {  	(tag) =	ssettag $0x2  }
0x19b: {  	s0 =	rddreg [dreg:$0x0];
	s2 =	stileid.u32  }
0x19c: {  	s1 =	rddreg [dreg:$0x1];
	p0 =	sne.s32 s2, $0x0  }
0x19d: {  	s3 =	rddreg [dreg:$0x2];
	[bflag:$0x3] =	sbarrier.arrive $0xFFFF;
	s2 =	simm.s32 @!p0 $0x1C03  }
0x19e: {  	[timem:s3], [sflag:s2] =	dma.local @!p0 [hbm:s0], s1  }
0x19f: {  	s0 =	simm.s32 @!p0 $0x3  }
0x1a0: {  	_ =	swait.ge @!p0 [sflag:s0], s1  }
0x1a1: {  	s1 =	ssub.s32 @!p0 $0x0, s1;
	[sflag:s0] =	ssyncset.done @!p0 $0x0  }
0x1a2: {  	[sflag:s0] =	ssyncadd.s32 @!p0 s1  }
0x1a3: {  	[bflag:$0x3] =	sbarrier.arrive $0xFFFF  }
0x1a4: {  	_ =	shalt  }

// kernel: sparse-core-data-format-call.cloned.1.call-start
scs
called_computation_lowered:
.L_overlay_start_0:
0x0: {  	s2 =	sld [smem:$0x3FD9]  }
0x1: {  	s3 =	sld [smem:$0x3FFE];
	_ =	sdelay $0x1  }
0x2: {  	s1 =	srdreg.scid  }
0x3: {  	s0 =	sand.u32 $0x1, s1  }
0x4: {  	s18 =	sshll.u32 s0, $0xA;
	s2 =	sadd.s32 s3, s2  }
0x5: {  	s2 =	sadd.s32 s2, s18  }
0x6: {  	[smem:$0x3FC6] =	sst s2  }
0x7: {  	_ = 	snop  }
0x8: {  	s2 =	sld [smem:$0x3FD0];
	(tm) =	ssettm $0x1  }
0x9: {  	s19 =	sld [smem:$0x3FFB];
	_ =	sdelay $0x3  }
0xa: {  	_ =	strace s19  }
0xb: {  	s3 =	sld [smem:$0x3FFC];
	_ =	sdelay $0x3  }
0xc: {  	_ =	strace s3  }
0xd: {  	s3 =	sld [smem:$0x3FFD];
	_ =	sdelay $0x3  }
0xe: {  	_ =	strace s3  }
0xf: {  	_ =	strace $0x8FFFFFFF  }
0x10: {  	s20 =	sld [smem:$0x3FDB];
	_ =	sdelay $0x1  }
0x11: {  	s4 =	simm.s32 $_scs_section_size  }
0x12: {  	s5 =	simm.s32 $_size__tile_overlayer_lowered;
	s6 =	simm.s32 $_tile_overlayer_lowered  }
0x13: {  	s23 =	simm.s32 $0x1BFF;
	s22 =	sshll.u32 s6, $0x1;
	s3 =	sadd.s32 s4, s20  }
0x14: {  	s7 =	simm.s32 $0x0;
	s21 =	sshll.u32 s5, $0x1;
	s5 =	sadd.s32 s22, s3  }
0x15: {  	[timem:s7], [sflag:s23] =	dma.local [hbm:s5], s21  }
0x16: {  	_ =	swait.ge [sflag:s23], s21  }
0x17: {  	s4 =	ssub.s32 $0x0, s21;
	[sflag:s23] =	ssyncset.done $0x0  }
0x18: {  	[sflag:s23] =	ssyncadd.s32 s4;
	_ =	sdelay $0x1  }
0x19: {  	s24 =	simm.s32 $0x1B8B  }
0x1a: {  	_ =	swait.ge [sflag:s24], $0x1  }
0x1b: {  	[sflag:s24] =	ssyncset.done $0x0  }
0x1c: {  	s26 =	simm.s32 $0x1B8E;
	s25 =	sld [smem:$0x3FFE];
	[sflag:s24] =	ssyncadd.s32 $0xFFFFFFFF  }
0x1d: {  	s27 =	simm.s32 $execute0_lowered;
	[smem:$0x3FD2] =	sst s26  }
0x1e: {  	s5 =	sshll.u32 s27, $0x1;
	_ =	strace $0x80000049;
	[dreg:$0x1] =	wrdreg $0xFFFFFFFF  }
0x1f: {  	s28 =	simm.s32 $_size_execute0_lowered;
	s3 =	sadd.s32 s3, s5;
	[dreg:$0x0] =	wrdreg $0x0  }
0x20: {  	s5 =	sshll.u32 s28, $0x1;
	[dreg:$0x2] =	wrdreg s3  }
0x21: {  	[dreg:$0x3] =	wrdreg s5  }
0x22: {  	[dreg:$0x4] =	wrdreg $0xC0  }
0x23: {  	_ =	task [dreg:s7], $0x5FFFF  }
0x24: {  	[dreg:$0x1] =	wrdreg $0xFFFFFFFF  }
0x25: {  	[dreg:$0x0] =	wrdreg $0x60  }
0x26: {  	[dreg:$0x2] =	wrdreg s25  }
0x27: {  	[dreg:$0x3] =	wrdreg s2  }
0x28: {  	[dreg:$0x4] =	wrdreg $0x9  }
0x29: {  	_ =	task.clear_ibuf [dreg:s7], $0x5FFFF;
	_ =	strace $0x90000049  }
0x2a: {  	s29 =	simm.s32 $0x9;
	_ =	strace $0x8000004B  }
0x2b: {  	_ =	swait.ge [sflag:s29], $0x1  }
0x2c: {  	[sflag:s29] =	ssyncadd.s32 $0xFFFFFFFF  }
0x2d: {  	_ =	strace $0x9000004B  }
0x2e: {  	_ =	sfence  }
0x2f: {  	s30 =	sld [smem:$0x0];
	_ =	sdelay $0x2  }
0x30: {  	s31 =	sshll.u32 s1, $0xD;
	s1 =	sshrl.u32 s1, $0x2  }
0x31: {  	s3 =	sand.u32 $0x4000, s31;
	s1 =	sadd.s32 s1, s30  }
0x32: {  	s0 =	sor.u32 s3, s0;
	s1 =	sshll.u32 s1, $0x11  }
0x33: {  	s0 =	sor.u32 s1, s0  }
0x34: {  	s0 =	sadd.s32 $0x8F2B, s0  }
0x35: {  	[sflag:s0] =	ssyncadd.remote.s32 $0x1  }
0x36: {  	_ =	sfence.sel $0xFFFF  }
0x37: {  	[dreg:$0x0] =	wrdreg $0xFFFFFFFF;
	(pc) =	sbr.abs _section_cstart, $3  }
0x38: {  	[dreg:$0x1] =	wrdreg $0xFFFFFFFF  }
0x39: {  	_ =	task.clear_ibuf [dreg:s7], $0x2FFFF;
	_ =	strace $0x9FFFFFFF  }
0x3a: {  	(tm) =	ssettm $0x7FFFFFFF  }
0x3b: {  	_ =	shalt  }
tec
execute0_lowered:
.L_overlay_start_1:
0x0: {  	(tag) =	ssettag $0x1  }
0x1: {  	s0 =	srdreg.scid  }
0x2: {  	s1 =	sshll.u32 s0, $0x4  }
0x3: {  	s4 =	rddreg [dreg:$0x0];
	s0 =	stileid.u32;
	s1 =	sand.u32 $0x10, s1  }
0x4: {  	s2 =	rddreg [dreg:$0x1];
	s7 =	simm.s32 $0x1;
	s1 =	sor.u32 s0, s1  }
0x5: {  	s8 =	simm.s32 $0x2;
	s11 =	simm.s32 $0x0;
	s3 =	sshll.u32 s1, $0x7  }
0x6: {  	s10 =	simm.s32 $0x0;
	s4 =	sadd.s32 $0x800, s4;
	s6 =	ssub.s32 $0x40000, s3  }
.Ltmp0:
0x7: {  	s1 =	rddreg [dreg:$0x2];
	s5 =	sand.u32 $0xF80, s6;
	(pc) =	sbr.rel .LBB1_1-.Ltmp0, $4  }
0x8: {  	_ =	strace $0x8000004A;
	s9 =	smov.u32 s3;
	p0 =	sne.s32 s5, $0x0  }
0x9: {  	s6 =	sshrl.u32 s6, $0xC;
	s5 =	simm.s32 $0x1;
	s7 =	simm.s32 @!p0 $0x0  }
0xa: {  	[sflag:s5] =	ssyncpa.u1 $0x0;
	p0 =	por $0x0, $0x0;
	s6 =	sadd.s32 s7, s6  }
0xb: {  	[sflag:s8] =	ssyncpa.u1 $0x0;
	s8 =	simm.s32 $0x200000;
	s7 =	sadd.s32 $0x1, s6  }
.LBB1_4:
0xc: {  	s13 =	sshll.u32 s11, $0x3  }
0xd: {  	s15 =	sand.u32 $0x78, s11;
	s13 =	sand.u32 $0x3FC00, s13  }
0xe: {  	s30 =	sand.u32 $0xF8000, s11;
	s31 =	sand.u32 $0x7, s11;
	s13 =	sor.u32 s15, s13  }
0xf: {  	s11 =	sshll.u32 s31, $0x12;
	s15 =	sadd.s32 s2, s30;
	s13 =	sshrl.u32 s13, $0x3  }
0x10: {  	[tilespmem:s14+$0x0 ss:$0x81] =	vst.msk $0xffff, v0;
	s11 =	sor.u32 $0x400, s11;
	s13 =	sadd.s32 s13, s15  }
0x11: {  	[hbm4b:s13+s11] =	stream.strided.scatter [tilespmem:s12], [sflag:$0x2], $0x1000, s8, s11, $0x20;
	[tilespmem:$0x4040] =	vst v63  }
.LBB1_5:
0x12: {  	s13 =	sadd.s32 $0x1000, s9  }
0x13: {  	p2 =	sgt.s32 s13, $0x3FFFF  }
0x14: {  	s13 =	smov.u32 @p2 s3;
	p2 =	sne.s32 s10, s7  }
.Ltmp1:
0x15: {  	p1 =	slt.u32 s10, $0x2;
	(pc) =	sbr.rel @!p2 .LBB1_6-.Ltmp1, $4  }
0x16: {  	s12 =	simm.s32 @!p1 $0x2  }
0x17: {  	s14 =	sadd.s32 $0x1, s10;
	_ =	swait.ge @!p1 [sflag:s12], $0x1000  }
0x18: {  	s11 =	smov.u32 s9;
	p0 =	por !p0, !p0;
	[sflag:s12] =	ssyncset.done @!p1 $0x0  }
0x19: {  	s10 =	smov.u32 s14;
	s9 =	smov.u32 s13;
	[sflag:s12] =	ssyncadd.s32 @!p1 $0xFFFFF000  }
.LBB1_1:
0x1a: {  	p1 =	sge.u32 s10, s6  }
0x1b: {  	s31 =	sadd.s32 $0xFFFFFFFF, s10;
	s12 =	sxor.u32 @!p1 $0xFFFFFFFF, s10;
	s13 =	sshll.u32 @!p1 s9, $0x4  }
0x1c: {  	s14 =	simm.s32 @!p1 $0x20;
	s12 =	sshll.u32 @!p1 s12, $0xC;
	s13 =	sand.u32 @!p1 $0x3FFFF0, s13  }
0x1d: {  	s15 =	simm.s32 @!p1 $0x80;
	s12 =	sand.u32 @!p1 $0x1000, s12;
	s13 =	sadd.s32 @!p1 s4, s13  }
0x1e: {  	[tilespmem:s12], [sflag:$0x1] =	stream.strided.gather @!p1 [hbm4b:s13+s14], $0x1000, s15, s14, $0x38;
	[tilespmem:$0x4040] =	vst v63  }
0x1f: {  	p1 =	sge.u32 s31, s6  }
.Ltmp2:
0x20: {  	_ = 	snop;
	(pc) =	sbr.rel @p1 .LBB1_5-.Ltmp2, $1  }
0x21: {  	_ =	sdelay $0x3  }
0x22: {  	s12 =	simm.s32 $0x1  }
0x23: {  	_ =	swait.ge [sflag:s5], $0x1000;
	s12 =	simm.s32 @!p0 $0x0  }
0x24: {  	[sflag:s5] =	ssyncset.done $0x0;
	s13 =	sshll.u32 s12, $0xC  }
0x25: {  	[sflag:s5] =	ssyncadd.s32 $0xFFFFF000;
	s16 =	sor.u32 $0x10, s13  }
0x26: {  	s12 =	smul.u32 $0x4080, s12;
	v1 =	vld [tilespmem:s16+$0x0]  }
0x27: {  	s30 =	sand.u32 $0x1, s10;
	v0 =	vld [tilespmem:s16+$0xFFFFFFF0]  }
0x28: {  	s14 =	smul.u32 $0x4080, s30;
	s12 =	sshrl.u32 s12, $0x2  }
0x29: {  	s13 =	sor.u32 $0x2000, s12  }
0x2a: {  	s31 =	sshrl.u32 s14, $0x2;
	s14 =	sadd.s32 $0x0, s13  }
0x2b: {  	s15 =	simm.s32 $0x4;
	s16 =	sadd.s32 $0x20, s16;
	s12 =	sor.u32 $0x2000, s31;
	[tilespmem:s14+$0x810 ss:$0x81] =	vst.msk $0xffff, v1  }
.LBB1_3:
0x2c: {  	v1 =	vld [tilespmem:s16+$0x0];
	p1 =	sne.s32 s15, $0x1FC;
	[tilespmem:s14+$0x0 ss:$0x81] =	vst.msk $0xffff, v0;
	s14 =	smov.u32 s15;
	s15 =	sadd.s32 $0x4, s15  }
.Ltmp3:
0x2d: {  	v0 =	vld [tilespmem:s16+$0xFFFFFFF0];
	(pc) =	sbr.rel @p1 .LBB1_3-.Ltmp3, $4  }
0x2e: {  	_ = 	snop  }
0x2f: {  	s14 =	sshra.s32 s14, $0x2  }
0x30: {  	s14 =	sadd.s32 s14, s13  }
0x31: {  	s16 =	sadd.s32 $0x20, s16;
	[tilespmem:s14+$0x810 ss:$0x81] =	vst.msk $0xffff, v1  }
.Ltmp4:
0x32: {  	_ = 	snop;
	(pc) =	sbr.rel .LBB1_4-.Ltmp4, $1  }
0x33: {  	_ =	sdelay $0x3  }
.LBB1_6:
0x34: {  	_ =	sfence.sel $0x180000  }
0x35: {  	s2 =	simm.s32 $0x1;
	[bflag:$0x0] =	sbarrier.arrive $0xFFFF  }
0x36: {  	s31 =	simm.s32 $0x2;
	[sflag:s2] =	ssyncpa.u1 $0x1  }
0x37: {  	[sflag:s31] =	ssyncpa.u1 $0x1  }
0x38: {  	p0 =	sne.s32 s0, $0x0;
	_ =	strace $0x9000004A  }
0x39: {  	s0 =	sadd.s32 @!p0 $0x100000, s1;
	[bflag:$0x2] =	sbarrier.arrive $0xFFFF  }
0x3a: {  	[sflag:s0] =	ssyncadd.tile.s32 @!p0 $0x1;
	_ =	shalt  }
.Lfunc_end1:
_tile_overlayer_lowered:
.L_overlay_start_2:
0x3b: {  	(tag) =	ssettag $0x2  }
0x3c: {  	s0 =	rddreg [dreg:$0x0];
	s2 =	stileid.u32  }
0x3d: {  	s1 =	rddreg [dreg:$0x1];
	p0 =	sne.s32 s2, $0x0  }
0x3e: {  	s3 =	rddreg [dreg:$0x2];
	[bflag:$0x3] =	sbarrier.arrive $0xFFFF;
	s2 =	simm.s32 @!p0 $0x1C01  }
0x3f: {  	[timem:s3], [sflag:s2] =	dma.local @!p0 [hbm:s0], s1  }
0x40: {  	s0 =	simm.s32 @!p0 $0x1  }
0x41: {  	_ =	swait.ge @!p0 [sflag:s0], s1  }
0x42: {  	s1 =	ssub.s32 @!p0 $0x0, s1;
	[sflag:s0] =	ssyncset.done @!p0 $0x0  }
0x43: {  	[sflag:s0] =	ssyncadd.s32 @!p0 s1  }
0x44: {  	[bflag:$0x3] =	sbarrier.arrive $0xFFFF  }
0x45: {  	_ =	shalt  }

</sc_bundles>
